<compile_context>
chip_gen: v7x
topology: tpu7x:2x2x1
jax: 0.10.2.dev20260603
libtpu: 0.0.44.dev20260713+nightly
codegen_flags: <defaults>
</compile_context>

<pallas_src>
import functools

import jax
import jax.numpy as jnp
from jax.experimental import pallas as pl
from jax.experimental.pallas import tpu as pltpu
from jax.experimental.pallas import tpu_sc as plsc

_N = 20000
_NC = 18
_C = 128
_NCROSS = 2048
_K = 256
_L = 128
_R = 160
_NPAD = _R * _L
_BIG = 2 ** 30

_SC_NC = 2
_SC_NS = 16
_SC_NW = _SC_NC * _SC_NS


def _sigmoid(x):
    return 1.0 / (1.0 + jnp.exp(-x))


def _iota3():
    idx2d = (jax.lax.broadcasted_iota(jnp.int32, (_R, _L), 0) * _L
             + jax.lax.broadcasted_iota(jnp.int32, (_R, _L), 1))
    return idx2d.reshape(_R // 8, 8, _L)


def _fold_ew(x, op, stop):
    w = x.shape[0]
    while w > stop:
        h = w // 2
        comb = op(x[0:h], x[h:2 * h])
        if w % 2:
            x = jnp.concatenate([comb, x[2 * h:w]], axis=0)
            w = h + 1
        else:
            x = comb
            w = h
    return x


def _slane_bfly_ew(x, op):
    for sh in (4, 2, 1):
        x = op(x, pltpu.roll(x, sh, 0))
    return x


def _argmax_first(val, idxp):
    v8 = _slane_bfly_ew(
        _fold_ew(val, jnp.maximum, 1).reshape(8, _L), jnp.maximum)
    cand = jnp.where(val == v8[None], idxp, _BIG)
    i8 = _slane_bfly_ew(
        _fold_ew(cand, jnp.minimum, 1).reshape(8, _L), jnp.minimum)
    vt = jnp.swapaxes(v8, 0, 1)
    it = jnp.swapaxes(i8, 0, 1)
    mt = _slane_bfly_ew(_fold_ew(vt, jnp.maximum, 8), jnp.maximum)
    candt = jnp.where(vt == mt[0:1], it, _BIG)
    imin = _slane_bfly_ew(_fold_ew(candt, jnp.minimum, 8), jnp.minimum)
    return imin[0, 0]


def _argmin2_idx(cand):
    def merge(a, b):
        a1, a2 = a
        b1, b2 = b
        lo = jnp.minimum(a1, b1)
        hi = jnp.maximum(a1, b1)
        return (lo, jnp.minimum(hi, jnp.minimum(a2, b2)))

    def fold(pair, stop):
        w = pair[0].shape[0]
        while w > stop:
            h = w // 2
            comb = merge(tuple(p[0:h] for p in pair),
                         tuple(p[h:2 * h] for p in pair))
            if w % 2:
                pair = tuple(jnp.concatenate([pc, p[2 * h:w]], axis=0)
                             for pc, p in zip(comb, pair))
                w = h + 1
            else:
                pair = comb
                w = h
        return pair

    def bfly(pair):
        for sh in (4, 2, 1):
            pair = merge(tuple(pltpu.roll(p, sh, 0) for p in pair), pair)
        return pair

    pair = (cand, jnp.full(cand.shape, _BIG, dtype=jnp.int32))
    pair = bfly(tuple(p.reshape(8, _L) for p in fold(pair, 1)))
    pair = bfly(fold(tuple(jnp.swapaxes(p, 0, 1) for p in pair), 8))
    return pair[0][0, 0], pair[1][0, 0]


def _main_kernel(stk_ref, feat_ref, psm_ref,
                 pts_out, feats_out, inds_out, cinds_out,
                 mask_ref, bits_ref):
    idx3 = _iota3()
    idx2d = idx3.reshape(_R, _L)
    valid = idx2d < _N

    sig_c = _sigmoid(stk_ref[0])
    m = jnp.full((_R, _L), -1.0, dtype=jnp.float32)
    for c in range(_NC):
        m = jnp.maximum(m, _sigmoid(stk_ref[1 + c]) * sig_c)
    scores = jnp.where(valid, m, 0.0)
    bits_ref[...] = jax.lax.bitcast_convert_type(scores, jnp.int32)

    def bs_body(_, lohi):
        lo, hi = lohi
        mid = jax.lax.div(lo + hi, jnp.int32(2))
        cnt = jnp.sum(jnp.where(bits_ref[...] >= mid, 1, 0))
        big = cnt >= _K
        return (jnp.where(big, mid, lo), jnp.where(big, hi, mid))

    lo0 = jnp.int32(1)
    hi0 = jnp.int32(0x3F800001)
    t, _ = jax.lax.fori_loop(0, 31, bs_body, (lo0, hi0))

    bits = bits_ref[...]
    gt = bits > t
    eq = bits == t
    cnt_gt = jnp.sum(jnp.where(gt, 1, 0))
    quota = _K - cnt_gt

    x = jnp.where(eq, 1, 0)
    eqi = x
    for sh in (1, 2, 4, 8, 16, 32, 64):
        x = x + jnp.pad(x, ((0, 0), (sh, 0)))[:, :_L]
    lane_inc = x
    row_tot = lane_inc[:, _L - 1:_L]
    y = row_tot
    for sh in (1, 2, 4, 8, 16, 32, 64, 128):
        y = y + jnp.pad(y, ((sh, 0), (0, 0)))[:_R, :]
    rank = (y - row_tot) + (lane_inc - eqi)
    selected = gt | (eq & (rank < quota))
    mask_ref[...] = jnp.where(selected, 1, 0).reshape(_R // 8, 8, _L)

    def ext_body(j, carry):
        msk = mask_ref[...]
        cand = jnp.where(msk != 0, idx3, _BIG)
        i1, i2 = _argmin2_idx(cand)
        mask_ref[...] = jnp.where((idx3 == i1) | (idx3 == i2), 0, msk)
        for q, idx in ((2 * j, i1), (2 * j + 1, i2)):
            inds_out[q] = idx
            feats_out[pl.ds(q, 1), :] = feat_ref[pl.ds(idx, 1), :]
            base = idx * 3
            pts_out[pl.ds(q, 1), :] = jnp.concatenate(
                [psm_ref[base].reshape(1, 1),
                 psm_ref[base + 1].reshape(1, 1),
                 psm_ref[base + 2].reshape(1, 1)], axis=1)
        return carry

    jax.lax.fori_loop(0, _K // 2, ext_body, 0)

    px3 = stk_ref[1 + _NC].reshape(_R // 8, 8, _L)
    py3 = stk_ref[2 + _NC].reshape(_R // 8, 8, _L)
    pz3 = stk_ref[3 + _NC].reshape(_R // 8, 8, _L)

    cinds_out[0] = jnp.int32(0)
    lx0 = psm_ref[0]
    ly0 = psm_ref[1]
    lz0 = psm_ref[2]
    d0 = jnp.where(idx3 < _N, jnp.inf, -jnp.inf)

    def fps_iter(i, lx, ly, lz, dists):
        dx = px3 - lx
        dy = py3 - ly
        dz = pz3 - lz
        d = (dx * dx + dy * dy) + dz * dz
        nd = jnp.minimum(dists, d)
        nxt = _argmax_first(nd, idx3)
        cinds_out[i] = nxt
        base = nxt * 3
        return (psm_ref[base], psm_ref[base + 1], psm_ref[base + 2], nd)

    def fps_pair(k, carry):
        i1 = 2 * k + 1
        s1 = fps_iter(i1, *carry)
        return fps_iter(i1 + 1, *s1)

    carry = jax.lax.fori_loop(0, (_NCROSS - 2) // 2, fps_pair,
                              (lx0, ly0, lz0, d0))
    fps_iter(_NCROSS - 1, *carry)


def _sc_gather_call(table, idx):
    bpw = _NCROSS // _SC_NW
    mesh = plsc.VectorSubcoreMesh(core_axis_name="c", subcore_axis_name="s")

    @functools.partial(
        pl.kernel, mesh=mesh,
        out_type=jax.ShapeDtypeStruct((_NCROSS, _C), jnp.float32),
        scratch_types=[
            pltpu.VMEM((bpw,), jnp.int32),
            pltpu.VMEM((bpw, _C), jnp.float32),
            pltpu.SemaphoreType.DMA,
        ],
    )
    def k(table_hbm, idx_hbm, out_hbm, idx_v, rows_v, sem):
        wid = jax.lax.axis_index("s") * _SC_NC + jax.lax.axis_index("c")
        base = wid * bpw
        pltpu.sync_copy(idx_hbm.at[pl.ds(base, bpw)], idx_v)
        pltpu.async_copy(table_hbm.at[idx_v], rows_v, sem).wait()
        pltpu.sync_copy(rows_v, out_hbm.at[pl.ds(base, bpw)])

    return k(table, idx)


def kernel(centernesses, cls_scores, points, features):
    pad = _NPAD - _N
    stack = jnp.concatenate(
        [centernesses[None, :], cls_scores.T, points.T], axis=0)
    stack = jnp.pad(stack, ((0, 0), (0, pad))).reshape(4 + _NC, _R, _L)
    psm = points.reshape(_N * 3)

    pts, feats, inds, cinds = pl.pallas_call(
        _main_kernel,
        in_specs=[
            pl.BlockSpec(memory_space=pltpu.VMEM),
            pl.BlockSpec(memory_space=pltpu.VMEM),
            pl.BlockSpec(memory_space=pltpu.SMEM),
        ],
        out_shape=[
            jax.ShapeDtypeStruct((_K, 3), jnp.float32),
            jax.ShapeDtypeStruct((_K, _C), jnp.float32),
            jax.ShapeDtypeStruct((_K,), jnp.int32),
            jax.ShapeDtypeStruct((_NCROSS,), jnp.int32),
        ],
        out_specs=[
            pl.BlockSpec(memory_space=pltpu.VMEM),
            pl.BlockSpec(memory_space=pltpu.VMEM),
            pl.BlockSpec(memory_space=pltpu.SMEM),
            pl.BlockSpec(memory_space=pltpu.SMEM),
        ],
        scratch_shapes=[
            pltpu.VMEM((_R // 8, 8, _L), jnp.int32),
            pltpu.VMEM((_R, _L), jnp.int32),
        ],
    )(stack, features, psm)

    cross = _sc_gather_call(features, cinds)
    return (pts[None], feats[None], inds[None], cross[None])

# --- scband reference (transcript-rebuilt; emitter-appended) ---
"""Pipeline reference for scband-fcaf3-dneck-with-head-ours-11287174054519 (READ-ONLY COPY).

The authoritative reference and input builder live on the scoring server;
editing this copy changes nothing except your own understanding.
"""

import jax, jax.numpy as jnp
import numpy as np

N = 20000
N_CLASSES = 18
C = 128
N_CROSS = 2048
TOP_K = 256


def setup_inputs(seed: int = 0) -> dict:
    key = jax.random.key(seed)
    k1, k2, k3, k4 = jax.random.split(key, 4)
    return {
        "centernesses": jax.random.normal(k1, (N,), dtype=jnp.float32),
        "cls_scores": jax.random.normal(k2, (N, N_CLASSES), dtype=jnp.float32),
        "points": jax.random.normal(k3, (N, 3), dtype=jnp.float32) * 10.0,
        "features": jax.random.normal(k4, (N, C), dtype=jnp.float32),
    }


def furthest_point_sample(points, n_samples):
    # Faithful FPS: iteratively pick point farthest from the selected set.
    n = points.shape[0]
    dists0 = jnp.full((n,), jnp.inf, dtype=jnp.float32)
    inds0 = jnp.zeros((n_samples,), dtype=jnp.int32)

    def body(i, state):
        dists, inds = state
        last = points[inds[i - 1]]
        d = jnp.sum((points - last) ** 2, axis=1)
        dists = jnp.minimum(dists, d)
        nxt = jnp.argmax(dists).astype(jnp.int32)
        inds = inds.at[i].set(nxt)
        return (dists, inds)

    _, inds = jax.lax.fori_loop(1, n_samples, body, (dists0, inds0))
    return inds


def reference(centernesses, cls_scores, points, features):
    # Query-selection head of Fcaf3DNeckWithHead_ours (eval mode, batch_size=1):
    # select_scores = sigmoid(cls) * sigmoid(centerness); top-256 by max class score;
    # sorted gather of points/features; FPS(2048) gather for cross-attention features.
    select_scores = jax.nn.sigmoid(cls_scores) * jax.nn.sigmoid(centernesses)[:, None]
    max_scores = jnp.max(select_scores, axis=1)

    cross_inds = furthest_point_sample(points, N_CROSS)
    cross_features = jnp.take(features, cross_inds, axis=0)

    top_k = min(max_scores.shape[0], TOP_K)
    _, inds = jax.lax.top_k(max_scores, top_k)
    sort_inds = jnp.sort(inds)

    feats = jnp.take(features, sort_inds, axis=0)
    pts = jnp.take(points, sort_inds, axis=0)

    # torch.stack over batch (batch_size = 1)
    return (pts[None], feats[None], sort_inds[None], cross_features[None])

if __name__ == "__main__":
    import jax
    _d = setup_inputs()
    print(jax.jit(kernel)(*tuple(_d.values())))

</pallas_src>

<mosaic_0001>
#map = affine_map<(d0, d1) -> (0, 0)>
#map1 = affine_map<(d0, d1) -> (0)>
module attributes {stable_mosaic.version = 14 : i64} {
  func.func @k(%arg0: i32, %arg1: i32, %arg2: memref<20000x128xf32, #tpu.memory_space<hbm>>, %arg3: memref<2048xi32, #tpu.memory_space<hbm>>, %arg4: memref<2048x128xf32, #tpu.memory_space<hbm>>, %arg5: memref<64xi32, #tpu.memory_space<vmem>>, %arg6: memref<64x128xf32, #tpu.memory_space<vmem>>, %arg7: memref<!tpu.dma_semaphore, #tpu.memory_space<semaphore_mem>>) attributes {dimension_semantics = [#tpu.dimension_semantics<core_parallel>, #tpu.dimension_semantics<subcore_parallel>], iteration_bounds = array<i64: 2, 16>, scalar_prefetch = 0 : i64, scratch_operands = 3 : i64, tpu.core_type = #tpu.core_type<sc_vector_subcore>, window_params = [{transform_indices = #map}, {transform_indices = #map1}, {transform_indices = #map}]} {
    %mul3A = arith.constant 2 : i32
    %mul3A_0 = arith.muli %arg1, %mul3A : i32
    %add3A = arith.addi %mul3A_0, %arg0 : i32
    %mul3A_1 = arith.constant 64 : i32
    %mul3A_2 = arith.muli %add3A, %mul3A_1 : i32
    "tpu.region"() ({
      %run_scoped3A = tpu.sem_alloc : memref<!tpu.dma_semaphore, #tpu.memory_space<semaphore_mem>>
      %dma_start3A_7 = tpu.memref_slice %arg3[%mul3A_2] : memref<2048xi32, #tpu.memory_space<hbm>> -> memref<64xi32, #tpu.memory_space<hbm>>
      %dma_start3A_8 = tpu.memref_slice %arg3[%mul3A_2] : memref<2048xi32, #tpu.memory_space<hbm>> -> memref<64xi32, #tpu.memory_space<hbm>>
      tpu.enqueue_dma source(%dma_start3A_8 : memref<64xi32, #tpu.memory_space<hbm>>) target(%arg5 : memref<64xi32, #tpu.memory_space<vmem>>) target_semaphore(%run_scoped3A : memref<!tpu.dma_semaphore, #tpu.memory_space<semaphore_mem>>)
      %dma_wait3A_9 = tpu.memref_slice %arg3[%mul3A_2] : memref<2048xi32, #tpu.memory_space<hbm>> -> memref<64xi32, #tpu.memory_space<hbm>>
      %dma_wait3A_10 = tpu.memref_slice %arg3[%mul3A_2] : memref<2048xi32, #tpu.memory_space<hbm>> -> memref<64xi32, #tpu.memory_space<hbm>>
      tpu.wait_dma2 semaphore(%run_scoped3A : memref<!tpu.dma_semaphore, #tpu.memory_space<semaphore_mem>>) src(%dma_wait3A_10 : memref<64xi32, #tpu.memory_space<hbm>>) dst(%arg5 : memref<64xi32, #tpu.memory_space<vmem>>)
      tpu.yield
    }) : () -> ()
    %dma_start3A = arith.constant 0 : i32
    %dma_start3A_3 = arith.constant 0 : i32
    %dma_start3A_4 = tpu.memref_slice %arg2[%dma_start3A, %dma_start3A_3] : memref<20000x128xf32, #tpu.memory_space<hbm>> -> memref<20000x128xf32, #tpu.memory_space<hbm>>
    tpu.enqueue_indirect_dma source(%dma_start3A_4 : memref<20000x128xf32, #tpu.memory_space<hbm>>) target(%arg6 : memref<64x128xf32, #tpu.memory_space<vmem>>) offsets(%arg5 : memref<64xi32, #tpu.memory_space<vmem>>) semaphore(%arg7 : memref<!tpu.dma_semaphore, #tpu.memory_space<semaphore_mem>>)
    %dma_wait3A = arith.constant 0 : i32
    %dma_wait3A_5 = arith.constant 0 : i32
    %dma_wait3A_6 = tpu.memref_slice %arg2[%dma_wait3A, %dma_wait3A_5] : memref<20000x128xf32, #tpu.memory_space<hbm>> -> memref<20000x128xf32, #tpu.memory_space<hbm>>
    tpu.wait_indirect_dma semaphore(%arg7 : memref<!tpu.dma_semaphore, #tpu.memory_space<semaphore_mem>>) src(%dma_wait3A_6 : memref<20000x128xf32, #tpu.memory_space<hbm>>) dst(%arg6 : memref<64x128xf32, #tpu.memory_space<vmem>>)
    "tpu.region"() ({
      %run_scoped3A = tpu.sem_alloc : memref<!tpu.dma_semaphore, #tpu.memory_space<semaphore_mem>>
      %dma_start3A_7 = arith.constant 0 : i32
      %dma_start3A_8 = tpu.memref_slice %arg4[%mul3A_2, %dma_start3A_7] : memref<2048x128xf32, #tpu.memory_space<hbm>> -> memref<64x128xf32, #tpu.memory_space<hbm>>
      %dma_start3A_9 = arith.constant 0 : i32
      %dma_start3A_10 = tpu.memref_slice %arg4[%mul3A_2, %dma_start3A_9] : memref<2048x128xf32, #tpu.memory_space<hbm>> -> memref<64x128xf32, #tpu.memory_space<hbm>>
      tpu.enqueue_dma source(%arg6 : memref<64x128xf32, #tpu.memory_space<vmem>>) target(%dma_start3A_10 : memref<64x128xf32, #tpu.memory_space<hbm>>) target_semaphore(%run_scoped3A : memref<!tpu.dma_semaphore, #tpu.memory_space<semaphore_mem>>)
      %dma_wait3A_11 = arith.constant 0 : i32
      %dma_wait3A_12 = tpu.memref_slice %arg4[%mul3A_2, %dma_wait3A_11] : memref<2048x128xf32, #tpu.memory_space<hbm>> -> memref<64x128xf32, #tpu.memory_space<hbm>>
      %dma_wait3A_13 = arith.constant 0 : i32
      %dma_wait3A_14 = tpu.memref_slice %arg4[%mul3A_2, %dma_wait3A_13] : memref<2048x128xf32, #tpu.memory_space<hbm>> -> memref<64x128xf32, #tpu.memory_space<hbm>>
      tpu.wait_dma2 semaphore(%run_scoped3A : memref<!tpu.dma_semaphore, #tpu.memory_space<semaphore_mem>>) src(%arg6 : memref<64x128xf32, #tpu.memory_space<vmem>>) dst(%dma_wait3A_14 : memref<64x128xf32, #tpu.memory_space<hbm>>)
      tpu.yield
    }) : () -> ()
    return
  }
}

module attributes {stable_mosaic.version = 14 : i64} {
  func.func @_main_kernel(%arg0: memref<22x160x128xf32, #tpu.memory_space<vmem>>, %arg1: memref<20000x128xf32, #tpu.memory_space<vmem>>, %arg2: memref<60000xf32, #tpu.memory_space<smem>>, %arg3: memref<256x3xf32, #tpu.memory_space<vmem>>, %arg4: memref<256x128xf32, #tpu.memory_space<vmem>>, %arg5: memref<256xi32, #tpu.memory_space<smem>>, %arg6: memref<2048xi32, #tpu.memory_space<smem>>, %arg7: memref<20x8x128xi32, #tpu.memory_space<vmem>>, %arg8: memref<160x128xi32, #tpu.memory_space<vmem>>) attributes {dimension_semantics = [], scalar_prefetch = 0 : i64, scratch_operands = 2 : i64, tpu.core_type = #tpu.core_type<tc>} {
    %iota3A = tpu.iota {dimensions = array<i32: 0>} : vector<160x128xi32>
    %mul3A = arith.constant 128 : i32
    %mul3A_0 = vector.broadcast %mul3A : i32 to vector<160x128xi32>
    %mul3A_1 = arith.muli %iota3A, %mul3A_0 : vector<160x128xi32>
    %iota3A_2 = tpu.iota {dimensions = array<i32: 1>} : vector<160x128xi32>
    %add3A = arith.addi %mul3A_1, %iota3A_2 : vector<160x128xi32>
    %reshape3A = vector.shape_cast %add3A : vector<160x128xi32> to vector<20x8x128xi32>
    %reshape3A_3 = vector.shape_cast %reshape3A : vector<20x8x128xi32> to vector<160x128xi32>
    %lt3A = arith.constant 20000 : i32
    %lt3A_4 = vector.broadcast %lt3A : i32 to vector<160x128xi32>
    %lt3A_5 = arith.cmpi slt, %reshape3A_3, %lt3A_4 : vector<160x128xi32>
    %get3A = arith.constant 0 : index
    %get3A_6 = arith.constant 0 : index
    %get3A_7 = arith.constant 0 : index
    %get3A_8 = vector.load %arg0[%get3A, %get3A_6, %get3A_7] : memref<22x160x128xf32, #tpu.memory_space<vmem>>, vector<1x160x128xf32>
    %get3A_9 = vector.shape_cast %get3A_8 : vector<1x160x128xf32> to vector<160x128xf32>
    %neg3A = arith.constant 0.000000e+00 : f32
    %neg3A_10 = vector.broadcast %neg3A : f32 to vector<160x128xf32>
    %neg3A_11 = arith.subf %neg3A_10, %get3A_9 : vector<160x128xf32>
    %exp3A = math.exp %neg3A_11 : vector<160x128xf32>
    %add3A_12 = arith.constant 1.000000e+00 : f32
    %add3A_13 = vector.broadcast %add3A_12 : f32 to vector<160x128xf32>
    %add3A_14 = arith.addf %add3A_13, %exp3A : vector<160x128xf32>
    %div3A = arith.constant 1.000000e+00 : f32
    %div3A_15 = vector.broadcast %div3A : f32 to vector<160x128xf32>
    %div3A_16 = arith.divf %div3A_15, %add3A_14 : vector<160x128xf32>
    %broadcast_in_dim3A = arith.constant -1.000000e+00 : f32
    %broadcast_in_dim3A_17 = vector.broadcast %broadcast_in_dim3A : f32 to vector<160x128xf32>
    %get3A_18 = arith.constant 1 : index
    %get3A_19 = arith.constant 0 : index
    %get3A_20 = arith.constant 0 : index
    %get3A_21 = vector.load %arg0[%get3A_18, %get3A_19, %get3A_20] : memref<22x160x128xf32, #tpu.memory_space<vmem>>, vector<1x160x128xf32>
    %get3A_22 = vector.shape_cast %get3A_21 : vector<1x160x128xf32> to vector<160x128xf32>
    %neg3A_23 = arith.constant 0.000000e+00 : f32
    %neg3A_24 = vector.broadcast %neg3A_23 : f32 to vector<160x128xf32>
    %neg3A_25 = arith.subf %neg3A_24, %get3A_22 : vector<160x128xf32>
    %exp3A_26 = math.exp %neg3A_25 : vector<160x128xf32>
    %add3A_27 = arith.constant 1.000000e+00 : f32
    %add3A_28 = vector.broadcast %add3A_27 : f32 to vector<160x128xf32>
    %add3A_29 = arith.addf %add3A_28, %exp3A_26 : vector<160x128xf32>
    %div3A_30 = arith.constant 1.000000e+00 : f32
    %div3A_31 = vector.broadcast %div3A_30 : f32 to vector<160x128xf32>
    %div3A_32 = arith.divf %div3A_31, %add3A_29 : vector<160x128xf32>
    %mul3A_33 = arith.mulf %div3A_32, %div3A_16 : vector<160x128xf32>
    %max3A = arith.maximumf %broadcast_in_dim3A_17, %mul3A_33 : vector<160x128xf32>
    %get3A_34 = arith.constant 2 : index
    %get3A_35 = arith.constant 0 : index
    %get3A_36 = arith.constant 0 : index
    %get3A_37 = vector.load %arg0[%get3A_34, %get3A_35, %get3A_36] : memref<22x160x128xf32, #tpu.memory_space<vmem>>, vector<1x160x128xf32>
    %get3A_38 = vector.shape_cast %get3A_37 : vector<1x160x128xf32> to vector<160x128xf32>
    %neg3A_39 = arith.constant 0.000000e+00 : f32
    %neg3A_40 = vector.broadcast %neg3A_39 : f32 to vector<160x128xf32>
    %neg3A_41 = arith.subf %neg3A_40, %get3A_38 : vector<160x128xf32>
    %exp3A_42 = math.exp %neg3A_41 : vector<160x128xf32>
    %add3A_43 = arith.constant 1.000000e+00 : f32
    %add3A_44 = vector.broadcast %add3A_43 : f32 to vector<160x128xf32>
    %add3A_45 = arith.addf %add3A_44, %exp3A_42 : vector<160x128xf32>
    %div3A_46 = arith.constant 1.000000e+00 : f32
    %div3A_47 = vector.broadcast %div3A_46 : f32 to vector<160x128xf32>
    %div3A_48 = arith.divf %div3A_47, %add3A_45 : vector<160x128xf32>
    %mul3A_49 = arith.mulf %div3A_48, %div3A_16 : vector<160x128xf32>
    %max3A_50 = arith.maximumf %max3A, %mul3A_49 : vector<160x128xf32>
    %get3A_51 = arith.constant 3 : index
    %get3A_52 = arith.constant 0 : index
    %get3A_53 = arith.constant 0 : index
    %get3A_54 = vector.load %arg0[%get3A_51, %get3A_52, %get3A_53] : memref<22x160x128xf32, #tpu.memory_space<vmem>>, vector<1x160x128xf32>
    %get3A_55 = vector.shape_cast %get3A_54 : vector<1x160x128xf32> to vector<160x128xf32>
    %neg3A_56 = arith.constant 0.000000e+00 : f32
    %neg3A_57 = vector.broadcast %neg3A_56 : f32 to vector<160x128xf32>
    %neg3A_58 = arith.subf %neg3A_57, %get3A_55 : vector<160x128xf32>
    %exp3A_59 = math.exp %neg3A_58 : vector<160x128xf32>
    %add3A_60 = arith.constant 1.000000e+00 : f32
    %add3A_61 = vector.broadcast %add3A_60 : f32 to vector<160x128xf32>
    %add3A_62 = arith.addf %add3A_61, %exp3A_59 : vector<160x128xf32>
    %div3A_63 = arith.constant 1.000000e+00 : f32
    %div3A_64 = vector.broadcast %div3A_63 : f32 to vector<160x128xf32>
    %div3A_65 = arith.divf %div3A_64, %add3A_62 : vector<160x128xf32>
    %mul3A_66 = arith.mulf %div3A_65, %div3A_16 : vector<160x128xf32>
    %max3A_67 = arith.maximumf %max3A_50, %mul3A_66 : vector<160x128xf32>
    %get3A_68 = arith.constant 4 : index
    %get3A_69 = arith.constant 0 : index
    %get3A_70 = arith.constant 0 : index
    %get3A_71 = vector.load %arg0[%get3A_68, %get3A_69, %get3A_70] : memref<22x160x128xf32, #tpu.memory_space<vmem>>, vector<1x160x128xf32>
    %get3A_72 = vector.shape_cast %get3A_71 : vector<1x160x128xf32> to vector<160x128xf32>
    %neg3A_73 = arith.constant 0.000000e+00 : f32
    %neg3A_74 = vector.broadcast %neg3A_73 : f32 to vector<160x128xf32>
    %neg3A_75 = arith.subf %neg3A_74, %get3A_72 : vector<160x128xf32>
    %exp3A_76 = math.exp %neg3A_75 : vector<160x128xf32>
    %add3A_77 = arith.constant 1.000000e+00 : f32
    %add3A_78 = vector.broadcast %add3A_77 : f32 to vector<160x128xf32>
    %add3A_79 = arith.addf %add3A_78, %exp3A_76 : vector<160x128xf32>
    %div3A_80 = arith.constant 1.000000e+00 : f32
    %div3A_81 = vector.broadcast %div3A_80 : f32 to vector<160x128xf32>
    %div3A_82 = arith.divf %div3A_81, %add3A_79 : vector<160x128xf32>
    %mul3A_83 = arith.mulf %div3A_82, %div3A_16 : vector<160x128xf32>
    %max3A_84 = arith.maximumf %max3A_67, %mul3A_83 : vector<160x128xf32>
    %get3A_85 = arith.constant 5 : index
    %get3A_86 = arith.constant 0 : index
    %get3A_87 = arith.constant 0 : index
    %get3A_88 = vector.load %arg0[%get3A_85, %get3A_86, %get3A_87] : memref<22x160x128xf32, #tpu.memory_space<vmem>>, vector<1x160x128xf32>
    %get3A_89 = vector.shape_cast %get3A_88 : vector<1x160x128xf32> to vector<160x128xf32>
    %neg3A_90 = arith.constant 0.000000e+00 : f32
    %neg3A_91 = vector.broadcast %neg3A_90 : f32 to vector<160x128xf32>
    %neg3A_92 = arith.subf %neg3A_91, %get3A_89 : vector<160x128xf32>
    %exp3A_93 = math.exp %neg3A_92 : vector<160x128xf32>
    %add3A_94 = arith.constant 1.000000e+00 : f32
    %add3A_95 = vector.broadcast %add3A_94 : f32 to vector<160x128xf32>
    %add3A_96 = arith.addf %add3A_95, %exp3A_93 : vector<160x128xf32>
    %div3A_97 = arith.constant 1.000000e+00 : f32
    %div3A_98 = vector.broadcast %div3A_97 : f32 to vector<160x128xf32>
    %div3A_99 = arith.divf %div3A_98, %add3A_96 : vector<160x128xf32>
    %mul3A_100 = arith.mulf %div3A_99, %div3A_16 : vector<160x128xf32>
    %max3A_101 = arith.maximumf %max3A_84, %mul3A_100 : vector<160x128xf32>
    %get3A_102 = arith.constant 6 : index
    %get3A_103 = arith.constant 0 : index
    %get3A_104 = arith.constant 0 : index
    %get3A_105 = vector.load %arg0[%get3A_102, %get3A_103, %get3A_104] : memref<22x160x128xf32, #tpu.memory_space<vmem>>, vector<1x160x128xf32>
    %get3A_106 = vector.shape_cast %get3A_105 : vector<1x160x128xf32> to vector<160x128xf32>
    %neg3A_107 = arith.constant 0.000000e+00 : f32
    %neg3A_108 = vector.broadcast %neg3A_107 : f32 to vector<160x128xf32>
    %neg3A_109 = arith.subf %neg3A_108, %get3A_106 : vector<160x128xf32>
    %exp3A_110 = math.exp %neg3A_109 : vector<160x128xf32>
    %add3A_111 = arith.constant 1.000000e+00 : f32
    %add3A_112 = vector.broadcast %add3A_111 : f32 to vector<160x128xf32>
    %add3A_113 = arith.addf %add3A_112, %exp3A_110 : vector<160x128xf32>
    %div3A_114 = arith.constant 1.000000e+00 : f32
    %div3A_115 = vector.broadcast %div3A_114 : f32 to vector<160x128xf32>
    %div3A_116 = arith.divf %div3A_115, %add3A_113 : vector<160x128xf32>
    %mul3A_117 = arith.mulf %div3A_116, %div3A_16 : vector<160x128xf32>
    %max3A_118 = arith.maximumf %max3A_101, %mul3A_117 : vector<160x128xf32>
    %get3A_119 = arith.constant 7 : index
    %get3A_120 = arith.constant 0 : index
    %get3A_121 = arith.constant 0 : index
    %get3A_122 = vector.load %arg0[%get3A_119, %get3A_120, %get3A_121] : memref<22x160x128xf32, #tpu.memory_space<vmem>>, vector<1x160x128xf32>
    %get3A_123 = vector.shape_cast %get3A_122 : vector<1x160x128xf32> to vector<160x128xf32>
    %neg3A_124 = arith.constant 0.000000e+00 : f32
    %neg3A_125 = vector.broadcast %neg3A_124 : f32 to vector<160x128xf32>
    %neg3A_126 = arith.subf %neg3A_125, %get3A_123 : vector<160x128xf32>
    %exp3A_127 = math.exp %neg3A_126 : vector<160x128xf32>
    %add3A_128 = arith.constant 1.000000e+00 : f32
    %add3A_129 = vector.broadcast %add3A_128 : f32 to vector<160x128xf32>
    %add3A_130 = arith.addf %add3A_129, %exp3A_127 : vector<160x128xf32>
    %div3A_131 = arith.constant 1.000000e+00 : f32
    %div3A_132 = vector.broadcast %div3A_131 : f32 to vector<160x128xf32>
    %div3A_133 = arith.divf %div3A_132, %add3A_130 : vector<160x128xf32>
    %mul3A_134 = arith.mulf %div3A_133, %div3A_16 : vector<160x128xf32>
    %max3A_135 = arith.maximumf %max3A_118, %mul3A_134 : vector<160x128xf32>
    %get3A_136 = arith.constant 8 : index
    %get3A_137 = arith.constant 0 : index
    %get3A_138 = arith.constant 0 : index
    %get3A_139 = vector.load %arg0[%get3A_136, %get3A_137, %get3A_138] : memref<22x160x128xf32, #tpu.memory_space<vmem>>, vector<1x160x128xf32>
    %get3A_140 = vector.shape_cast %get3A_139 : vector<1x160x128xf32> to vector<160x128xf32>
    %neg3A_141 = arith.constant 0.000000e+00 : f32
    %neg3A_142 = vector.broadcast %neg3A_141 : f32 to vector<160x128xf32>
    %neg3A_143 = arith.subf %neg3A_142, %get3A_140 : vector<160x128xf32>
    %exp3A_144 = math.exp %neg3A_143 : vector<160x128xf32>
    %add3A_145 = arith.constant 1.000000e+00 : f32
    %add3A_146 = vector.broadcast %add3A_145 : f32 to vector<160x128xf32>
    %add3A_147 = arith.addf %add3A_146, %exp3A_144 : vector<160x128xf32>
    %div3A_148 = arith.constant 1.000000e+00 : f32
    %div3A_149 = vector.broadcast %div3A_148 : f32 to vector<160x128xf32>
    %div3A_150 = arith.divf %div3A_149, %add3A_147 : vector<160x128xf32>
    %mul3A_151 = arith.mulf %div3A_150, %div3A_16 : vector<160x128xf32>
    %max3A_152 = arith.maximumf %max3A_135, %mul3A_151 : vector<160x128xf32>
    %get3A_153 = arith.constant 9 : index
    %get3A_154 = arith.constant 0 : index
    %get3A_155 = arith.constant 0 : index
    %get3A_156 = vector.load %arg0[%get3A_153, %get3A_154, %get3A_155] : memref<22x160x128xf32, #tpu.memory_space<vmem>>, vector<1x160x128xf32>
    %get3A_157 = vector.shape_cast %get3A_156 : vector<1x160x128xf32> to vector<160x128xf32>
    %neg3A_158 = arith.constant 0.000000e+00 : f32
    %neg3A_159 = vector.broadcast %neg3A_158 : f32 to vector<160x128xf32>
    %neg3A_160 = arith.subf %neg3A_159, %get3A_157 : vector<160x128xf32>
    %exp3A_161 = math.exp %neg3A_160 : vector<160x128xf32>
    %add3A_162 = arith.constant 1.000000e+00 : f32
    %add3A_163 = vector.broadcast %add3A_162 : f32 to vector<160x128xf32>
    %add3A_164 = arith.addf %add3A_163, %exp3A_161 : vector<160x128xf32>
    %div3A_165 = arith.constant 1.000000e+00 : f32
    %div3A_166 = vector.broadcast %div3A_165 : f32 to vector<160x128xf32>
    %div3A_167 = arith.divf %div3A_166, %add3A_164 : vector<160x128xf32>
    %mul3A_168 = arith.mulf %div3A_167, %div3A_16 : vector<160x128xf32>
    %max3A_169 = arith.maximumf %max3A_152, %mul3A_168 : vector<160x128xf32>
    %get3A_170 = arith.constant 10 : index
    %get3A_171 = arith.constant 0 : index
    %get3A_172 = arith.constant 0 : index
    %get3A_173 = vector.load %arg0[%get3A_170, %get3A_171, %get3A_172] : memref<22x160x128xf32, #tpu.memory_space<vmem>>, vector<1x160x128xf32>
    %get3A_174 = vector.shape_cast %get3A_173 : vector<1x160x128xf32> to vector<160x128xf32>
    %neg3A_175 = arith.constant 0.000000e+00 : f32
    %neg3A_176 = vector.broadcast %neg3A_175 : f32 to vector<160x128xf32>
    %neg3A_177 = arith.subf %neg3A_176, %get3A_174 : vector<160x128xf32>
    %exp3A_178 = math.exp %neg3A_177 : vector<160x128xf32>
    %add3A_179 = arith.constant 1.000000e+00 : f32
    %add3A_180 = vector.broadcast %add3A_179 : f32 to vector<160x128xf32>
    %add3A_181 = arith.addf %add3A_180, %exp3A_178 : vector<160x128xf32>
    %div3A_182 = arith.constant 1.000000e+00 : f32
    %div3A_183 = vector.broadcast %div3A_182 : f32 to vector<160x128xf32>
    %div3A_184 = arith.divf %div3A_183, %add3A_181 : vector<160x128xf32>
    %mul3A_185 = arith.mulf %div3A_184, %div3A_16 : vector<160x128xf32>
    %max3A_186 = arith.maximumf %max3A_169, %mul3A_185 : vector<160x128xf32>
    %get3A_187 = arith.constant 11 : index
    %get3A_188 = arith.constant 0 : index
    %get3A_189 = arith.constant 0 : index
    %get3A_190 = vector.load %arg0[%get3A_187, %get3A_188, %get3A_189] : memref<22x160x128xf32, #tpu.memory_space<vmem>>, vector<1x160x128xf32>
    %get3A_191 = vector.shape_cast %get3A_190 : vector<1x160x128xf32> to vector<160x128xf32>
    %neg3A_192 = arith.constant 0.000000e+00 : f32
    %neg3A_193 = vector.broadcast %neg3A_192 : f32 to vector<160x128xf32>
    %neg3A_194 = arith.subf %neg3A_193, %get3A_191 : vector<160x128xf32>
    %exp3A_195 = math.exp %neg3A_194 : vector<160x128xf32>
    %add3A_196 = arith.constant 1.000000e+00 : f32
    %add3A_197 = vector.broadcast %add3A_196 : f32 to vector<160x128xf32>
    %add3A_198 = arith.addf %add3A_197, %exp3A_195 : vector<160x128xf32>
    %div3A_199 = arith.constant 1.000000e+00 : f32
    %div3A_200 = vector.broadcast %div3A_199 : f32 to vector<160x128xf32>
    %div3A_201 = arith.divf %div3A_200, %add3A_198 : vector<160x128xf32>
    %mul3A_202 = arith.mulf %div3A_201, %div3A_16 : vector<160x128xf32>
    %max3A_203 = arith.maximumf %max3A_186, %mul3A_202 : vector<160x128xf32>
    %get3A_204 = arith.constant 12 : index
    %get3A_205 = arith.constant 0 : index
    %get3A_206 = arith.constant 0 : index
    %get3A_207 = vector.load %arg0[%get3A_204, %get3A_205, %get3A_206] : memref<22x160x128xf32, #tpu.memory_space<vmem>>, vector<1x160x128xf32>
    %get3A_208 = vector.shape_cast %get3A_207 : vector<1x160x128xf32> to vector<160x128xf32>
    %neg3A_209 = arith.constant 0.000000e+00 : f32
    %neg3A_210 = vector.broadcast %neg3A_209 : f32 to vector<160x128xf32>
    %neg3A_211 = arith.subf %neg3A_210, %get3A_208 : vector<160x128xf32>
    %exp3A_212 = math.exp %neg3A_211 : vector<160x128xf32>
    %add3A_213 = arith.constant 1.000000e+00 : f32
    %add3A_214 = vector.broadcast %add3A_213 : f32 to vector<160x128xf32>
    %add3A_215 = arith.addf %add3A_214, %exp3A_212 : vector<160x128xf32>
    %div3A_216 = arith.constant 1.000000e+00 : f32
    %div3A_217 = vector.broadcast %div3A_216 : f32 to vector<160x128xf32>
    %div3A_218 = arith.divf %div3A_217, %add3A_215 : vector<160x128xf32>
    %mul3A_219 = arith.mulf %div3A_218, %div3A_16 : vector<160x128xf32>
    %max3A_220 = arith.maximumf %max3A_203, %mul3A_219 : vector<160x128xf32>
    %get3A_221 = arith.constant 13 : index
    %get3A_222 = arith.constant 0 : index
    %get3A_223 = arith.constant 0 : index
    %get3A_224 = vector.load %arg0[%get3A_221, %get3A_222, %get3A_223] : memref<22x160x128xf32, #tpu.memory_space<vmem>>, vector<1x160x128xf32>
    %get3A_225 = vector.shape_cast %get3A_224 : vector<1x160x128xf32> to vector<160x128xf32>
    %neg3A_226 = arith.constant 0.000000e+00 : f32
    %neg3A_227 = vector.broadcast %neg3A_226 : f32 to vector<160x128xf32>
    %neg3A_228 = arith.subf %neg3A_227, %get3A_225 : vector<160x128xf32>
    %exp3A_229 = math.exp %neg3A_228 : vector<160x128xf32>
    %add3A_230 = arith.constant 1.000000e+00 : f32
    %add3A_231 = vector.broadcast %add3A_230 : f32 to vector<160x128xf32>
    %add3A_232 = arith.addf %add3A_231, %exp3A_229 : vector<160x128xf32>
    %div3A_233 = arith.constant 1.000000e+00 : f32
    %div3A_234 = vector.broadcast %div3A_233 : f32 to vector<160x128xf32>
    %div3A_235 = arith.divf %div3A_234, %add3A_232 : vector<160x128xf32>
    %mul3A_236 = arith.mulf %div3A_235, %div3A_16 : vector<160x128xf32>
    %max3A_237 = arith.maximumf %max3A_220, %mul3A_236 : vector<160x128xf32>
    %get3A_238 = arith.constant 14 : index
    %get3A_239 = arith.constant 0 : index
    %get3A_240 = arith.constant 0 : index
    %get3A_241 = vector.load %arg0[%get3A_238, %get3A_239, %get3A_240] : memref<22x160x128xf32, #tpu.memory_space<vmem>>, vector<1x160x128xf32>
    %get3A_242 = vector.shape_cast %get3A_241 : vector<1x160x128xf32> to vector<160x128xf32>
    %neg3A_243 = arith.constant 0.000000e+00 : f32
    %neg3A_244 = vector.broadcast %neg3A_243 : f32 to vector<160x128xf32>
    %neg3A_245 = arith.subf %neg3A_244, %get3A_242 : vector<160x128xf32>
    %exp3A_246 = math.exp %neg3A_245 : vector<160x128xf32>
    %add3A_247 = arith.constant 1.000000e+00 : f32
    %add3A_248 = vector.broadcast %add3A_247 : f32 to vector<160x128xf32>
    %add3A_249 = arith.addf %add3A_248, %exp3A_246 : vector<160x128xf32>
    %div3A_250 = arith.constant 1.000000e+00 : f32
    %div3A_251 = vector.broadcast %div3A_250 : f32 to vector<160x128xf32>
    %div3A_252 = arith.divf %div3A_251, %add3A_249 : vector<160x128xf32>
    %mul3A_253 = arith.mulf %div3A_252, %div3A_16 : vector<160x128xf32>
    %max3A_254 = arith.maximumf %max3A_237, %mul3A_253 : vector<160x128xf32>
    %get3A_255 = arith.constant 15 : index
    %get3A_256 = arith.constant 0 : index
    %get3A_257 = arith.constant 0 : index
    %get3A_258 = vector.load %arg0[%get3A_255, %get3A_256, %get3A_257] : memref<22x160x128xf32, #tpu.memory_space<vmem>>, vector<1x160x128xf32>
    %get3A_259 = vector.shape_cast %get3A_258 : vector<1x160x128xf32> to vector<160x128xf32>
    %neg3A_260 = arith.constant 0.000000e+00 : f32
    %neg3A_261 = vector.broadcast %neg3A_260 : f32 to vector<160x128xf32>
    %neg3A_262 = arith.subf %neg3A_261, %get3A_259 : vector<160x128xf32>
    %exp3A_263 = math.exp %neg3A_262 : vector<160x128xf32>
    %add3A_264 = arith.constant 1.000000e+00 : f32
    %add3A_265 = vector.broadcast %add3A_264 : f32 to vector<160x128xf32>
    %add3A_266 = arith.addf %add3A_265, %exp3A_263 : vector<160x128xf32>
    %div3A_267 = arith.constant 1.000000e+00 : f32
    %div3A_268 = vector.broadcast %div3A_267 : f32 to vector<160x128xf32>
    %div3A_269 = arith.divf %div3A_268, %add3A_266 : vector<160x128xf32>
    %mul3A_270 = arith.mulf %div3A_269, %div3A_16 : vector<160x128xf32>
    %max3A_271 = arith.maximumf %max3A_254, %mul3A_270 : vector<160x128xf32>
    %get3A_272 = arith.constant 16 : index
    %get3A_273 = arith.constant 0 : index
    %get3A_274 = arith.constant 0 : index
    %get3A_275 = vector.load %arg0[%get3A_272, %get3A_273, %get3A_274] : memref<22x160x128xf32, #tpu.memory_space<vmem>>, vector<1x160x128xf32>
    %get3A_276 = vector.shape_cast %get3A_275 : vector<1x160x128xf32> to vector<160x128xf32>
    %neg3A_277 = arith.constant 0.000000e+00 : f32
    %neg3A_278 = vector.broadcast %neg3A_277 : f32 to vector<160x128xf32>
    %neg3A_279 = arith.subf %neg3A_278, %get3A_276 : vector<160x128xf32>
    %exp3A_280 = math.exp %neg3A_279 : vector<160x128xf32>
    %add3A_281 = arith.constant 1.000000e+00 : f32
    %add3A_282 = vector.broadcast %add3A_281 : f32 to vector<160x128xf32>
    %add3A_283 = arith.addf %add3A_282, %exp3A_280 : vector<160x128xf32>
    %div3A_284 = arith.constant 1.000000e+00 : f32
    %div3A_285 = vector.broadcast %div3A_284 : f32 to vector<160x128xf32>
    %div3A_286 = arith.divf %div3A_285, %add3A_283 : vector<160x128xf32>
    %mul3A_287 = arith.mulf %div3A_286, %div3A_16 : vector<160x128xf32>
    %max3A_288 = arith.maximumf %max3A_271, %mul3A_287 : vector<160x128xf32>
    %get3A_289 = arith.constant 17 : index
    %get3A_290 = arith.constant 0 : index
    %get3A_291 = arith.constant 0 : index
    %get3A_292 = vector.load %arg0[%get3A_289, %get3A_290, %get3A_291] : memref<22x160x128xf32, #tpu.memory_space<vmem>>, vector<1x160x128xf32>
    %get3A_293 = vector.shape_cast %get3A_292 : vector<1x160x128xf32> to vector<160x128xf32>
    %neg3A_294 = arith.constant 0.000000e+00 : f32
    %neg3A_295 = vector.broadcast %neg3A_294 : f32 to vector<160x128xf32>
    %neg3A_296 = arith.subf %neg3A_295, %get3A_293 : vector<160x128xf32>
    %exp3A_297 = math.exp %neg3A_296 : vector<160x128xf32>
    %add3A_298 = arith.constant 1.000000e+00 : f32
    %add3A_299 = vector.broadcast %add3A_298 : f32 to vector<160x128xf32>
    %add3A_300 = arith.addf %add3A_299, %exp3A_297 : vector<160x128xf32>
    %div3A_301 = arith.constant 1.000000e+00 : f32
    %div3A_302 = vector.broadcast %div3A_301 : f32 to vector<160x128xf32>
    %div3A_303 = arith.divf %div3A_302, %add3A_300 : vector<160x128xf32>
    %mul3A_304 = arith.mulf %div3A_303, %div3A_16 : vector<160x128xf32>
    %max3A_305 = arith.maximumf %max3A_288, %mul3A_304 : vector<160x128xf32>
    %get3A_306 = arith.constant 18 : index
    %get3A_307 = arith.constant 0 : index
    %get3A_308 = arith.constant 0 : index
    %get3A_309 = vector.load %arg0[%get3A_306, %get3A_307, %get3A_308] : memref<22x160x128xf32, #tpu.memory_space<vmem>>, vector<1x160x128xf32>
    %get3A_310 = vector.shape_cast %get3A_309 : vector<1x160x128xf32> to vector<160x128xf32>
    %neg3A_311 = arith.constant 0.000000e+00 : f32
    %neg3A_312 = vector.broadcast %neg3A_311 : f32 to vector<160x128xf32>
    %neg3A_313 = arith.subf %neg3A_312, %get3A_310 : vector<160x128xf32>
    %exp3A_314 = math.exp %neg3A_313 : vector<160x128xf32>
    %add3A_315 = arith.constant 1.000000e+00 : f32
    %add3A_316 = vector.broadcast %add3A_315 : f32 to vector<160x128xf32>
    %add3A_317 = arith.addf %add3A_316, %exp3A_314 : vector<160x128xf32>
    %div3A_318 = arith.constant 1.000000e+00 : f32
    %div3A_319 = vector.broadcast %div3A_318 : f32 to vector<160x128xf32>
    %div3A_320 = arith.divf %div3A_319, %add3A_317 : vector<160x128xf32>
    %mul3A_321 = arith.mulf %div3A_320, %div3A_16 : vector<160x128xf32>
    %max3A_322 = arith.maximumf %max3A_305, %mul3A_321 : vector<160x128xf32>
    %jit3A = arith.constant 0.000000e+00 : f32
    %broadcast_in_dim3A_323 = vector.broadcast %jit3A : f32 to vector<160x128xf32>
    %select_n3A = arith.select %lt3A_5, %max3A_322, %broadcast_in_dim3A_323 : vector<160x128xi1>, vector<160x128xf32>
    %bitcast_convert_type3A = tpu.bitcast %select_n3A : vector<160x128xf32> -> vector<160x128xi32>
    %swap3A = arith.constant 0 : index
    %swap3A_324 = arith.constant 0 : index
    %swap3A_325 = vector.load %arg8[%swap3A, %swap3A_324] : memref<160x128xi32, #tpu.memory_space<vmem>>, vector<160x128xi32>
    tpu.vector_store %arg8[%swap3A, %swap3A_324], %bitcast_convert_type3A {strides = array<i32>} : memref<160x128xi32, #tpu.memory_space<vmem>>, vector<160x128xi32>,
    %scan3A = arith.constant 1 : i32
    %scan3A_326 = arith.constant 1065353217 : i32
    %scan3A_327 = arith.constant 0 : i32
    %scan3A_328 = arith.constant 31 : i32
    %scan3A_329 = arith.addi %scan3A_327, %scan3A_328 : i32
    %scan3A_330 = arith.constant 1 : i32
    %scan3A_331:2 = scf.for %scan3A_613 = %scan3A_327 to %scan3A_329 step %scan3A_330 iter_args(%scan3A_614 = %scan3A, %scan3A_615 = %scan3A_326) -> (i32, i32)  : i32 {
      %add3A_616 = arith.addi %scan3A_614, %scan3A_615 : i32
      %div3A_617 = arith.constant 2 : i32
      %div3A_618 = arith.divsi %add3A_616, %div3A_617 : i32
      %get3A_619 = arith.constant 0 : index
      %get3A_620 = arith.constant 0 : index
      %get3A_621 = vector.load %arg8[%get3A_619, %get3A_620] : memref<160x128xi32, #tpu.memory_space<vmem>>, vector<160x128xi32>
      %ge3A = vector.broadcast %div3A_618 : i32 to vector<160x128xi32>
      %ge3A_622 = arith.cmpi sge, %get3A_621, %ge3A : vector<160x128xi32>
      %jit3A_623 = arith.constant 1 : i32
      %jit3A_624 = arith.constant 0 : i32
      %broadcast_in_dim3A_625 = vector.broadcast %jit3A_623 : i32 to vector<160x128xi32>
      %broadcast_in_dim3A_626 = vector.broadcast %jit3A_624 : i32 to vector<160x128xi32>
      %select_n3A_627 = arith.select %ge3A_622, %broadcast_in_dim3A_625, %broadcast_in_dim3A_626 : vector<160x128xi1>, vector<160x128xi32>
      %reduce_sum3A_628 = vector.shape_cast %select_n3A_627 : vector<160x128xi32> to vector<1x160x128xi32>
      %reduce_sum3A_629 = arith.constant dense<0> : vector<1xi32>
      %reduce_sum3A_630 = vector.multi_reduction <add>, %reduce_sum3A_628, %reduce_sum3A_629 [1, 2] : vector<1x160x128xi32> to vector<1xi32>
      %reduce_sum3A_631 = vector.shape_cast %reduce_sum3A_630 : vector<1xi32> to vector<1x1x1xi32>
      %reduce_sum3A_632 = vector.extract %reduce_sum3A_631[0, 0, 0] : i32 from vector<1x1x1xi32>
      %ge3A_633 = arith.constant 256 : i32
      %ge3A_634 = arith.cmpi sge, %reduce_sum3A_632, %ge3A_633 : i32
      %select_n3A_635 = arith.select %ge3A_634, %div3A_618, %scan3A_614 : i32
      %select_n3A_636 = arith.select %ge3A_634, %scan3A_615, %div3A_618 : i32
      scf.yield %select_n3A_635, %select_n3A_636 : i32, i32
    }
    %get3A_332 = arith.constant 0 : index
    %get3A_333 = arith.constant 0 : index
    %get3A_334 = vector.load %arg8[%get3A_332, %get3A_333] : memref<160x128xi32, #tpu.memory_space<vmem>>, vector<160x128xi32>
    %gt3A = vector.broadcast %scan3A_331#0 : i32 to vector<160x128xi32>
    %gt3A_335 = arith.cmpi sgt, %get3A_334, %gt3A : vector<160x128xi32>
    %eq3A = vector.broadcast %scan3A_331#0 : i32 to vector<160x128xi32>
    %eq3A_336 = arith.cmpi eq, %get3A_334, %eq3A : vector<160x128xi32>
    %jit3A_337 = arith.constant 1 : i32
    %jit3A_338 = arith.constant 0 : i32
    %broadcast_in_dim3A_339 = vector.broadcast %jit3A_337 : i32 to vector<160x128xi32>
    %broadcast_in_dim3A_340 = vector.broadcast %jit3A_338 : i32 to vector<160x128xi32>
    %select_n3A_341 = arith.select %gt3A_335, %broadcast_in_dim3A_339, %broadcast_in_dim3A_340 : vector<160x128xi1>, vector<160x128xi32>
    %reduce_sum3A = vector.shape_cast %select_n3A_341 : vector<160x128xi32> to vector<1x160x128xi32>
    %reduce_sum3A_342 = arith.constant dense<0> : vector<1xi32>
    %reduce_sum3A_343 = vector.multi_reduction <add>, %reduce_sum3A, %reduce_sum3A_342 [1, 2] : vector<1x160x128xi32> to vector<1xi32>
    %reduce_sum3A_344 = vector.shape_cast %reduce_sum3A_343 : vector<1xi32> to vector<1x1x1xi32>
    %reduce_sum3A_345 = vector.extract %reduce_sum3A_344[0, 0, 0] : i32 from vector<1x1x1xi32>
    %sub3A = arith.constant 256 : i32
    %sub3A_346 = arith.subi %sub3A, %reduce_sum3A_345 : i32
    %jit3A_347 = arith.constant 1 : i32
    %jit3A_348 = arith.constant 0 : i32
    %broadcast_in_dim3A_349 = vector.broadcast %jit3A_347 : i32 to vector<160x128xi32>
    %broadcast_in_dim3A_350 = vector.broadcast %jit3A_348 : i32 to vector<160x128xi32>
    %select_n3A_351 = arith.select %eq3A_336, %broadcast_in_dim3A_349, %broadcast_in_dim3A_350 : vector<160x128xi1>, vector<160x128xi32>
    %jit3A_352 = arith.constant 0 : i32
    %pad3A = vector.broadcast %jit3A_352 : i32 to vector<160x1xi32>
    %pad3A_353 = tpu.concatenate %pad3A, %select_n3A_351 in 1 : vector<160x1xi32>, vector<160x128xi32> -> vector<160x129xi32>
    %slice3A = vector.extract_strided_slice %pad3A_353 {offsets = [0, 0], sizes = [160, 128], strides = [1, 1]} : vector<160x129xi32> to vector<160x128xi32>
    %add3A_354 = arith.addi %select_n3A_351, %slice3A : vector<160x128xi32>
    %jit3A_355 = arith.constant 0 : i32
    %pad3A_356 = vector.broadcast %jit3A_355 : i32 to vector<160x2xi32>
    %pad3A_357 = tpu.concatenate %pad3A_356, %add3A_354 in 1 : vector<160x2xi32>, vector<160x128xi32> -> vector<160x130xi32>
    %slice3A_358 = vector.extract_strided_slice %pad3A_357 {offsets = [0, 0], sizes = [160, 128], strides = [1, 1]} : vector<160x130xi32> to vector<160x128xi32>
    %add3A_359 = arith.addi %add3A_354, %slice3A_358 : vector<160x128xi32>
    %jit3A_360 = arith.constant 0 : i32
    %pad3A_361 = vector.broadcast %jit3A_360 : i32 to vector<160x4xi32>
    %pad3A_362 = tpu.concatenate %pad3A_361, %add3A_359 in 1 : vector<160x4xi32>, vector<160x128xi32> -> vector<160x132xi32>
    %slice3A_363 = vector.extract_strided_slice %pad3A_362 {offsets = [0, 0], sizes = [160, 128], strides = [1, 1]} : vector<160x132xi32> to vector<160x128xi32>
    %add3A_364 = arith.addi %add3A_359, %slice3A_363 : vector<160x128xi32>
    %jit3A_365 = arith.constant 0 : i32
    %pad3A_366 = vector.broadcast %jit3A_365 : i32 to vector<160x8xi32>
    %pad3A_367 = tpu.concatenate %pad3A_366, %add3A_364 in 1 : vector<160x8xi32>, vector<160x128xi32> -> vector<160x136xi32>
    %slice3A_368 = vector.extract_strided_slice %pad3A_367 {offsets = [0, 0], sizes = [160, 128], strides = [1, 1]} : vector<160x136xi32> to vector<160x128xi32>
    %add3A_369 = arith.addi %add3A_364, %slice3A_368 : vector<160x128xi32>
    %jit3A_370 = arith.constant 0 : i32
    %pad3A_371 = vector.broadcast %jit3A_370 : i32 to vector<160x16xi32>
    %pad3A_372 = tpu.concatenate %pad3A_371, %add3A_369 in 1 : vector<160x16xi32>, vector<160x128xi32> -> vector<160x144xi32>
    %slice3A_373 = vector.extract_strided_slice %pad3A_372 {offsets = [0, 0], sizes = [160, 128], strides = [1, 1]} : vector<160x144xi32> to vector<160x128xi32>
    %add3A_374 = arith.addi %add3A_369, %slice3A_373 : vector<160x128xi32>
    %jit3A_375 = arith.constant 0 : i32
    %pad3A_376 = vector.broadcast %jit3A_375 : i32 to vector<160x32xi32>
    %pad3A_377 = tpu.concatenate %pad3A_376, %add3A_374 in 1 : vector<160x32xi32>, vector<160x128xi32> -> vector<160x160xi32>
    %slice3A_378 = vector.extract_strided_slice %pad3A_377 {offsets = [0, 0], sizes = [160, 128], strides = [1, 1]} : vector<160x160xi32> to vector<160x128xi32>
    %add3A_379 = arith.addi %add3A_374, %slice3A_378 : vector<160x128xi32>
    %jit3A_380 = arith.constant 0 : i32
    %pad3A_381 = vector.broadcast %jit3A_380 : i32 to vector<160x64xi32>
    %pad3A_382 = tpu.concatenate %pad3A_381, %add3A_379 in 1 : vector<160x64xi32>, vector<160x128xi32> -> vector<160x192xi32>
    %slice3A_383 = vector.extract_strided_slice %pad3A_382 {offsets = [0, 0], sizes = [160, 128], strides = [1, 1]} : vector<160x192xi32> to vector<160x128xi32>
    %add3A_384 = arith.addi %add3A_379, %slice3A_383 : vector<160x128xi32>
    %slice3A_385 = vector.extract_strided_slice %add3A_384 {offsets = [0, 127], sizes = [160, 1], strides = [1, 1]} : vector<160x128xi32> to vector<160x1xi32>
    %jit3A_386 = arith.constant 0 : i32
    %pad3A_387 = vector.broadcast %jit3A_386 : i32 to vector<1x1xi32>
    %pad3A_388 = tpu.concatenate %pad3A_387, %slice3A_385 in 0 : vector<1x1xi32>, vector<160x1xi32> -> vector<161x1xi32>
    %slice3A_389 = vector.extract_strided_slice %pad3A_388 {offsets = [0, 0], sizes = [160, 1], strides = [1, 1]} : vector<161x1xi32> to vector<160x1xi32>
    %add3A_390 = arith.addi %slice3A_385, %slice3A_389 : vector<160x1xi32>
    %jit3A_391 = arith.constant 0 : i32
    %pad3A_392 = vector.broadcast %jit3A_391 : i32 to vector<2x1xi32>
    %pad3A_393 = tpu.concatenate %pad3A_392, %add3A_390 in 0 : vector<2x1xi32>, vector<160x1xi32> -> vector<162x1xi32>
    %slice3A_394 = vector.extract_strided_slice %pad3A_393 {offsets = [0, 0], sizes = [160, 1], strides = [1, 1]} : vector<162x1xi32> to vector<160x1xi32>
    %add3A_395 = arith.addi %add3A_390, %slice3A_394 : vector<160x1xi32>
    %jit3A_396 = arith.constant 0 : i32
    %pad3A_397 = vector.broadcast %jit3A_396 : i32 to vector<4x1xi32>
    %pad3A_398 = tpu.concatenate %pad3A_397, %add3A_395 in 0 : vector<4x1xi32>, vector<160x1xi32> -> vector<164x1xi32>
    %slice3A_399 = vector.extract_strided_slice %pad3A_398 {offsets = [0, 0], sizes = [160, 1], strides = [1, 1]} : vector<164x1xi32> to vector<160x1xi32>
    %add3A_400 = arith.addi %add3A_395, %slice3A_399 : vector<160x1xi32>
    %jit3A_401 = arith.constant 0 : i32
    %pad3A_402 = vector.broadcast %jit3A_401 : i32 to vector<8x1xi32>
    %pad3A_403 = tpu.concatenate %pad3A_402, %add3A_400 in 0 : vector<8x1xi32>, vector<160x1xi32> -> vector<168x1xi32>
    %slice3A_404 = vector.extract_strided_slice %pad3A_403 {offsets = [0, 0], sizes = [160, 1], strides = [1, 1]} : vector<168x1xi32> to vector<160x1xi32>
    %add3A_405 = arith.addi %add3A_400, %slice3A_404 : vector<160x1xi32>
    %jit3A_406 = arith.constant 0 : i32
    %pad3A_407 = vector.broadcast %jit3A_406 : i32 to vector<16x1xi32>
    %pad3A_408 = tpu.concatenate %pad3A_407, %add3A_405 in 0 : vector<16x1xi32>, vector<160x1xi32> -> vector<176x1xi32>
    %slice3A_409 = vector.extract_strided_slice %pad3A_408 {offsets = [0, 0], sizes = [160, 1], strides = [1, 1]} : vector<176x1xi32> to vector<160x1xi32>
    %add3A_410 = arith.addi %add3A_405, %slice3A_409 : vector<160x1xi32>
    %jit3A_411 = arith.constant 0 : i32
    %pad3A_412 = vector.broadcast %jit3A_411 : i32 to vector<32x1xi32>
    %pad3A_413 = tpu.concatenate %pad3A_412, %add3A_410 in 0 : vector<32x1xi32>, vector<160x1xi32> -> vector<192x1xi32>
    %slice3A_414 = vector.extract_strided_slice %pad3A_413 {offsets = [0, 0], sizes = [160, 1], strides = [1, 1]} : vector<192x1xi32> to vector<160x1xi32>
    %add3A_415 = arith.addi %add3A_410, %slice3A_414 : vector<160x1xi32>
    %jit3A_416 = arith.constant 0 : i32
    %pad3A_417 = vector.broadcast %jit3A_416 : i32 to vector<64x1xi32>
    %pad3A_418 = tpu.concatenate %pad3A_417, %add3A_415 in 0 : vector<64x1xi32>, vector<160x1xi32> -> vector<224x1xi32>
    %slice3A_419 = vector.extract_strided_slice %pad3A_418 {offsets = [0, 0], sizes = [160, 1], strides = [1, 1]} : vector<224x1xi32> to vector<160x1xi32>
    %add3A_420 = arith.addi %add3A_415, %slice3A_419 : vector<160x1xi32>
    %jit3A_421 = arith.constant 0 : i32
    %pad3A_422 = vector.broadcast %jit3A_421 : i32 to vector<128x1xi32>
    %pad3A_423 = tpu.concatenate %pad3A_422, %add3A_420 in 0 : vector<128x1xi32>, vector<160x1xi32> -> vector<288x1xi32>
    %slice3A_424 = vector.extract_strided_slice %pad3A_423 {offsets = [0, 0], sizes = [160, 1], strides = [1, 1]} : vector<288x1xi32> to vector<160x1xi32>
    %add3A_425 = arith.addi %add3A_420, %slice3A_424 : vector<160x1xi32>
    %sub3A_426 = arith.subi %add3A_425, %slice3A_385 : vector<160x1xi32>
    %sub3A_427 = arith.subi %add3A_384, %select_n3A_351 : vector<160x128xi32>
    %add3A_428 = vector.broadcast %sub3A_426 : vector<160x1xi32> to vector<160x128xi32>
    %add3A_429 = arith.addi %add3A_428, %sub3A_427 : vector<160x128xi32>
    %lt3A_430 = vector.broadcast %sub3A_346 : i32 to vector<160x128xi32>
    %lt3A_431 = arith.cmpi slt, %add3A_429, %lt3A_430 : vector<160x128xi32>
    %and3A = arith.andi %eq3A_336, %lt3A_431 : vector<160x128xi1>
    %or3A = arith.ori %gt3A_335, %and3A : vector<160x128xi1>
    %jit3A_432 = arith.constant 1 : i32
    %jit3A_433 = arith.constant 0 : i32
    %broadcast_in_dim3A_434 = vector.broadcast %jit3A_432 : i32 to vector<160x128xi32>
    %broadcast_in_dim3A_435 = vector.broadcast %jit3A_433 : i32 to vector<160x128xi32>
    %select_n3A_436 = arith.select %or3A, %broadcast_in_dim3A_434, %broadcast_in_dim3A_435 : vector<160x128xi1>, vector<160x128xi32>
    %reshape3A_437 = vector.shape_cast %select_n3A_436 : vector<160x128xi32> to vector<20x8x128xi32>
    %swap3A_438 = arith.constant 0 : index
    %swap3A_439 = arith.constant 0 : index
    %swap3A_440 = arith.constant 0 : index
    %swap3A_441 = vector.load %arg7[%swap3A_438, %swap3A_439, %swap3A_440] : memref<20x8x128xi32, #tpu.memory_space<vmem>>, vector<20x8x128xi32>
    tpu.vector_store %arg7[%swap3A_438, %swap3A_439, %swap3A_440], %reshape3A_437 {strides = array<i32>} : memref<20x8x128xi32, #tpu.memory_space<vmem>>, vector<20x8x128xi32>,
    %scan3A_442 = arith.constant 0 : i32
    %scan3A_443 = arith.constant 128 : i32
    %scan3A_444 = arith.addi %scan3A_442, %scan3A_443 : i32
    %scan3A_445 = arith.constant 1 : i32
    scf.for %scan3A_613 = %scan3A_442 to %scan3A_444 step %scan3A_445  : i32 {
      %get3A_614 = arith.constant 0 : index
      %get3A_615 = arith.constant 0 : index
      %get3A_616 = arith.constant 0 : index
      %get3A_617 = vector.load %arg7[%get3A_614, %get3A_615, %get3A_616] : memref<20x8x128xi32, #tpu.memory_space<vmem>>, vector<20x8x128xi32>
      %ne3A = arith.constant 0 : i32
      %ne3A_618 = vector.broadcast %ne3A : i32 to vector<20x8x128xi32>
      %ne3A_619 = arith.cmpi ne, %get3A_617, %ne3A_618 : vector<20x8x128xi32>
      %jit3A_620 = arith.constant 1073741824 : i32
      %broadcast_in_dim3A_621 = vector.broadcast %jit3A_620 : i32 to vector<20x8x128xi32>
      %select_n3A_622 = arith.select %ne3A_619, %reshape3A, %broadcast_in_dim3A_621 : vector<20x8x128xi1>, vector<20x8x128xi32>
      %broadcast_in_dim3A_623 = arith.constant 1073741824 : i32
      %broadcast_in_dim3A_624 = vector.broadcast %broadcast_in_dim3A_623 : i32 to vector<20x8x128xi32>
      %slice3A_625 = vector.extract_strided_slice %select_n3A_622 {offsets = [0, 0, 0], sizes = [10, 8, 128], strides = [1, 1, 1]} : vector<20x8x128xi32> to vector<10x8x128xi32>
      %slice3A_626 = vector.extract_strided_slice %broadcast_in_dim3A_624 {offsets = [0, 0, 0], sizes = [10, 8, 128], strides = [1, 1, 1]} : vector<20x8x128xi32> to vector<10x8x128xi32>
      %slice3A_627 = vector.extract_strided_slice %select_n3A_622 {offsets = [10, 0, 0], sizes = [10, 8, 128], strides = [1, 1, 1]} : vector<20x8x128xi32> to vector<10x8x128xi32>
      %slice3A_628 = vector.extract_strided_slice %broadcast_in_dim3A_624 {offsets = [10, 0, 0], sizes = [10, 8, 128], strides = [1, 1, 1]} : vector<20x8x128xi32> to vector<10x8x128xi32>
      %min3A_629 = arith.minsi %slice3A_625, %slice3A_627 : vector<10x8x128xi32>
      %max3A_630 = arith.maxsi %slice3A_625, %slice3A_627 : vector<10x8x128xi32>
      %min3A_631 = arith.minsi %slice3A_626, %slice3A_628 : vector<10x8x128xi32>
      %min3A_632 = arith.minsi %max3A_630, %min3A_631 : vector<10x8x128xi32>
      %slice3A_633 = vector.extract_strided_slice %min3A_629 {offsets = [0, 0, 0], sizes = [5, 8, 128], strides = [1, 1, 1]} : vector<10x8x128xi32> to vector<5x8x128xi32>
      %slice3A_634 = vector.extract_strided_slice %min3A_632 {offsets = [0, 0, 0], sizes = [5, 8, 128], strides = [1, 1, 1]} : vector<10x8x128xi32> to vector<5x8x128xi32>
      %slice3A_635 = vector.extract_strided_slice %min3A_629 {offsets = [5, 0, 0], sizes = [5, 8, 128], strides = [1, 1, 1]} : vector<10x8x128xi32> to vector<5x8x128xi32>
      %slice3A_636 = vector.extract_strided_slice %min3A_632 {offsets = [5, 0, 0], sizes = [5, 8, 128], strides = [1, 1, 1]} : vector<10x8x128xi32> to vector<5x8x128xi32>
      %min3A_637 = arith.minsi %slice3A_633, %slice3A_635 : vector<5x8x128xi32>
      %max3A_638 = arith.maxsi %slice3A_633, %slice3A_635 : vector<5x8x128xi32>
      %min3A_639 = arith.minsi %slice3A_634, %slice3A_636 : vector<5x8x128xi32>
      %min3A_640 = arith.minsi %max3A_638, %min3A_639 : vector<5x8x128xi32>
      %slice3A_641 = vector.extract_strided_slice %min3A_637 {offsets = [0, 0, 0], sizes = [2, 8, 128], strides = [1, 1, 1]} : vector<5x8x128xi32> to vector<2x8x128xi32>
      %slice3A_642 = vector.extract_strided_slice %min3A_640 {offsets = [0, 0, 0], sizes = [2, 8, 128], strides = [1, 1, 1]} : vector<5x8x128xi32> to vector<2x8x128xi32>
      %slice3A_643 = vector.extract_strided_slice %min3A_637 {offsets = [2, 0, 0], sizes = [2, 8, 128], strides = [1, 1, 1]} : vector<5x8x128xi32> to vector<2x8x128xi32>
      %slice3A_644 = vector.extract_strided_slice %min3A_640 {offsets = [2, 0, 0], sizes = [2, 8, 128], strides = [1, 1, 1]} : vector<5x8x128xi32> to vector<2x8x128xi32>
      %min3A_645 = arith.minsi %slice3A_641, %slice3A_643 : vector<2x8x128xi32>
      %max3A_646 = arith.maxsi %slice3A_641, %slice3A_643 : vector<2x8x128xi32>
      %min3A_647 = arith.minsi %slice3A_642, %slice3A_644 : vector<2x8x128xi32>
      %min3A_648 = arith.minsi %max3A_646, %min3A_647 : vector<2x8x128xi32>
      %slice3A_649 = vector.extract_strided_slice %min3A_637 {offsets = [4, 0, 0], sizes = [1, 8, 128], strides = [1, 1, 1]} : vector<5x8x128xi32> to vector<1x8x128xi32>
      %concatenate3A_650 = tpu.concatenate %min3A_645, %slice3A_649 in 0 : vector<2x8x128xi32>, vector<1x8x128xi32> -> vector<3x8x128xi32>
      %slice3A_651 = vector.extract_strided_slice %min3A_640 {offsets = [4, 0, 0], sizes = [1, 8, 128], strides = [1, 1, 1]} : vector<5x8x128xi32> to vector<1x8x128xi32>
      %concatenate3A_652 = tpu.concatenate %min3A_648, %slice3A_651 in 0 : vector<2x8x128xi32>, vector<1x8x128xi32> -> vector<3x8x128xi32>
      %slice3A_653 = vector.extract_strided_slice %concatenate3A_650 {offsets = [0, 0, 0], sizes = [1, 8, 128], strides = [1, 1, 1]} : vector<3x8x128xi32> to vector<1x8x128xi32>
      %slice3A_654 = vector.extract_strided_slice %concatenate3A_652 {offsets = [0, 0, 0], sizes = [1, 8, 128], strides = [1, 1, 1]} : vector<3x8x128xi32> to vector<1x8x128xi32>
      %slice3A_655 = vector.extract_strided_slice %concatenate3A_650 {offsets = [1, 0, 0], sizes = [1, 8, 128], strides = [1, 1, 1]} : vector<3x8x128xi32> to vector<1x8x128xi32>
      %slice3A_656 = vector.extract_strided_slice %concatenate3A_652 {offsets = [1, 0, 0], sizes = [1, 8, 128], strides = [1, 1, 1]} : vector<3x8x128xi32> to vector<1x8x128xi32>
      %min3A_657 = arith.minsi %slice3A_653, %slice3A_655 : vector<1x8x128xi32>
      %max3A_658 = arith.maxsi %slice3A_653, %slice3A_655 : vector<1x8x128xi32>
      %min3A_659 = arith.minsi %slice3A_654, %slice3A_656 : vector<1x8x128xi32>
      %min3A_660 = arith.minsi %max3A_658, %min3A_659 : vector<1x8x128xi32>
      %slice3A_661 = vector.extract_strided_slice %concatenate3A_650 {offsets = [2, 0, 0], sizes = [1, 8, 128], strides = [1, 1, 1]} : vector<3x8x128xi32> to vector<1x8x128xi32>
      %concatenate3A_662 = tpu.concatenate %min3A_657, %slice3A_661 in 0 : vector<1x8x128xi32>, vector<1x8x128xi32> -> vector<2x8x128xi32>
      %slice3A_663 = vector.extract_strided_slice %concatenate3A_652 {offsets = [2, 0, 0], sizes = [1, 8, 128], strides = [1, 1, 1]} : vector<3x8x128xi32> to vector<1x8x128xi32>
      %concatenate3A_664 = tpu.concatenate %min3A_660, %slice3A_663 in 0 : vector<1x8x128xi32>, vector<1x8x128xi32> -> vector<2x8x128xi32>
      %slice3A_665 = vector.extract_strided_slice %concatenate3A_662 {offsets = [0, 0, 0], sizes = [1, 8, 128], strides = [1, 1, 1]} : vector<2x8x128xi32> to vector<1x8x128xi32>
      %slice3A_666 = vector.extract_strided_slice %concatenate3A_664 {offsets = [0, 0, 0], sizes = [1, 8, 128], strides = [1, 1, 1]} : vector<2x8x128xi32> to vector<1x8x128xi32>
      %slice3A_667 = vector.extract_strided_slice %concatenate3A_662 {offsets = [1, 0, 0], sizes = [1, 8, 128], strides = [1, 1, 1]} : vector<2x8x128xi32> to vector<1x8x128xi32>
      %slice3A_668 = vector.extract_strided_slice %concatenate3A_664 {offsets = [1, 0, 0], sizes = [1, 8, 128], strides = [1, 1, 1]} : vector<2x8x128xi32> to vector<1x8x128xi32>
      %min3A_669 = arith.minsi %slice3A_665, %slice3A_667 : vector<1x8x128xi32>
      %max3A_670 = arith.maxsi %slice3A_665, %slice3A_667 : vector<1x8x128xi32>
      %min3A_671 = arith.minsi %slice3A_666, %slice3A_668 : vector<1x8x128xi32>
      %min3A_672 = arith.minsi %max3A_670, %min3A_671 : vector<1x8x128xi32>
      %reshape3A_673 = vector.shape_cast %min3A_669 : vector<1x8x128xi32> to vector<8x128xi32>
      %reshape3A_674 = vector.shape_cast %min3A_672 : vector<1x8x128xi32> to vector<8x128xi32>
      %roll3A_675 = arith.constant 4 : i32
      %roll3A_676 = tpu.dynamic_rotate %reshape3A_673 by %roll3A_675 dim 0 : vector<8x128xi32>, i32 -> vector<8x128xi32>
      %roll3A_677 = arith.constant 4 : i32
      %roll3A_678 = tpu.dynamic_rotate %reshape3A_674 by %roll3A_677 dim 0 : vector<8x128xi32>, i32 -> vector<8x128xi32>
      %min3A_679 = arith.minsi %roll3A_676, %reshape3A_673 : vector<8x128xi32>
      %max3A_680 = arith.maxsi %roll3A_676, %reshape3A_673 : vector<8x128xi32>
      %min3A_681 = arith.minsi %roll3A_678, %reshape3A_674 : vector<8x128xi32>
      %min3A_682 = arith.minsi %max3A_680, %min3A_681 : vector<8x128xi32>
      %roll3A_683 = arith.constant 2 : i32
      %roll3A_684 = tpu.dynamic_rotate %min3A_679 by %roll3A_683 dim 0 : vector<8x128xi32>, i32 -> vector<8x128xi32>
      %roll3A_685 = arith.constant 2 : i32
      %roll3A_686 = tpu.dynamic_rotate %min3A_682 by %roll3A_685 dim 0 : vector<8x128xi32>, i32 -> vector<8x128xi32>
      %min3A_687 = arith.minsi %roll3A_684, %min3A_679 : vector<8x128xi32>
      %max3A_688 = arith.maxsi %roll3A_684, %min3A_679 : vector<8x128xi32>
      %min3A_689 = arith.minsi %roll3A_686, %min3A_682 : vector<8x128xi32>
      %min3A_690 = arith.minsi %max3A_688, %min3A_689 : vector<8x128xi32>
      %roll3A_691 = arith.constant 1 : i32
      %roll3A_692 = tpu.dynamic_rotate %min3A_687 by %roll3A_691 dim 0 : vector<8x128xi32>, i32 -> vector<8x128xi32>
      %roll3A_693 = arith.constant 1 : i32
      %roll3A_694 = tpu.dynamic_rotate %min3A_690 by %roll3A_693 dim 0 : vector<8x128xi32>, i32 -> vector<8x128xi32>
      %min3A_695 = arith.minsi %roll3A_692, %min3A_687 : vector<8x128xi32>
      %max3A_696 = arith.maxsi %roll3A_692, %min3A_687 : vector<8x128xi32>
      %min3A_697 = arith.minsi %roll3A_694, %min3A_690 : vector<8x128xi32>
      %min3A_698 = arith.minsi %max3A_696, %min3A_697 : vector<8x128xi32>
      %transpose3A_699 = tpu.transpose %min3A_695, [1, 0] : vector<8x128xi32> -> vector<128x8xi32>
      %transpose3A_700 = tpu.transpose %min3A_698, [1, 0] : vector<8x128xi32> -> vector<128x8xi32>
      %slice3A_701 = vector.extract_strided_slice %transpose3A_699 {offsets = [0, 0], sizes = [64, 8], strides = [1, 1]} : vector<128x8xi32> to vector<64x8xi32>
      %slice3A_702 = vector.extract_strided_slice %transpose3A_700 {offsets = [0, 0], sizes = [64, 8], strides = [1, 1]} : vector<128x8xi32> to vector<64x8xi32>
      %slice3A_703 = vector.extract_strided_slice %transpose3A_699 {offsets = [64, 0], sizes = [64, 8], strides = [1, 1]} : vector<128x8xi32> to vector<64x8xi32>
      %slice3A_704 = vector.extract_strided_slice %transpose3A_700 {offsets = [64, 0], sizes = [64, 8], strides = [1, 1]} : vector<128x8xi32> to vector<64x8xi32>
      %min3A_705 = arith.minsi %slice3A_701, %slice3A_703 : vector<64x8xi32>
      %max3A_706 = arith.maxsi %slice3A_701, %slice3A_703 : vector<64x8xi32>
      %min3A_707 = arith.minsi %slice3A_702, %slice3A_704 : vector<64x8xi32>
      %min3A_708 = arith.minsi %max3A_706, %min3A_707 : vector<64x8xi32>
      %slice3A_709 = vector.extract_strided_slice %min3A_705 {offsets = [0, 0], sizes = [32, 8], strides = [1, 1]} : vector<64x8xi32> to vector<32x8xi32>
      %slice3A_710 = vector.extract_strided_slice %min3A_708 {offsets = [0, 0], sizes = [32, 8], strides = [1, 1]} : vector<64x8xi32> to vector<32x8xi32>
      %slice3A_711 = vector.extract_strided_slice %min3A_705 {offsets = [32, 0], sizes = [32, 8], strides = [1, 1]} : vector<64x8xi32> to vector<32x8xi32>
      %slice3A_712 = vector.extract_strided_slice %min3A_708 {offsets = [32, 0], sizes = [32, 8], strides = [1, 1]} : vector<64x8xi32> to vector<32x8xi32>
      %min3A_713 = arith.minsi %slice3A_709, %slice3A_711 : vector<32x8xi32>
      %max3A_714 = arith.maxsi %slice3A_709, %slice3A_711 : vector<32x8xi32>
      %min3A_715 = arith.minsi %slice3A_710, %slice3A_712 : vector<32x8xi32>
      %min3A_716 = arith.minsi %max3A_714, %min3A_715 : vector<32x8xi32>
      %slice3A_717 = vector.extract_strided_slice %min3A_713 {offsets = [0, 0], sizes = [16, 8], strides = [1, 1]} : vector<32x8xi32> to vector<16x8xi32>
      %slice3A_718 = vector.extract_strided_slice %min3A_716 {offsets = [0, 0], sizes = [16, 8], strides = [1, 1]} : vector<32x8xi32> to vector<16x8xi32>
      %slice3A_719 = vector.extract_strided_slice %min3A_713 {offsets = [16, 0], sizes = [16, 8], strides = [1, 1]} : vector<32x8xi32> to vector<16x8xi32>
      %slice3A_720 = vector.extract_strided_slice %min3A_716 {offsets = [16, 0], sizes = [16, 8], strides = [1, 1]} : vector<32x8xi32> to vector<16x8xi32>
      %min3A_721 = arith.minsi %slice3A_717, %slice3A_719 : vector<16x8xi32>
      %max3A_722 = arith.maxsi %slice3A_717, %slice3A_719 : vector<16x8xi32>
      %min3A_723 = arith.minsi %slice3A_718, %slice3A_720 : vector<16x8xi32>
      %min3A_724 = arith.minsi %max3A_722, %min3A_723 : vector<16x8xi32>
      %slice3A_725 = vector.extract_strided_slice %min3A_721 {offsets = [0, 0], sizes = [8, 8], strides = [1, 1]} : vector<16x8xi32> to vector<8x8xi32>
      %slice3A_726 = vector.extract_strided_slice %min3A_724 {offsets = [0, 0], sizes = [8, 8], strides = [1, 1]} : vector<16x8xi32> to vector<8x8xi32>
      %slice3A_727 = vector.extract_strided_slice %min3A_721 {offsets = [8, 0], sizes = [8, 8], strides = [1, 1]} : vector<16x8xi32> to vector<8x8xi32>
      %slice3A_728 = vector.extract_strided_slice %min3A_724 {offsets = [8, 0], sizes = [8, 8], strides = [1, 1]} : vector<16x8xi32> to vector<8x8xi32>
      %min3A_729 = arith.minsi %slice3A_725, %slice3A_727 : vector<8x8xi32>
      %max3A_730 = arith.maxsi %slice3A_725, %slice3A_727 : vector<8x8xi32>
      %min3A_731 = arith.minsi %slice3A_726, %slice3A_728 : vector<8x8xi32>
      %min3A_732 = arith.minsi %max3A_730, %min3A_731 : vector<8x8xi32>
      %roll3A_733 = arith.constant 4 : i32
      %roll3A_734 = tpu.dynamic_rotate %min3A_729 by %roll3A_733 dim 0 : vector<8x8xi32>, i32 -> vector<8x8xi32>
      %roll3A_735 = arith.constant 4 : i32
      %roll3A_736 = tpu.dynamic_rotate %min3A_732 by %roll3A_735 dim 0 : vector<8x8xi32>, i32 -> vector<8x8xi32>
      %min3A_737 = arith.minsi %roll3A_734, %min3A_729 : vector<8x8xi32>
      %max3A_738 = arith.maxsi %roll3A_734, %min3A_729 : vector<8x8xi32>
      %min3A_739 = arith.minsi %roll3A_736, %min3A_732 : vector<8x8xi32>
      %min3A_740 = arith.minsi %max3A_738, %min3A_739 : vector<8x8xi32>
      %roll3A_741 = arith.constant 2 : i32
      %roll3A_742 = tpu.dynamic_rotate %min3A_737 by %roll3A_741 dim 0 : vector<8x8xi32>, i32 -> vector<8x8xi32>
      %roll3A_743 = arith.constant 2 : i32
      %roll3A_744 = tpu.dynamic_rotate %min3A_740 by %roll3A_743 dim 0 : vector<8x8xi32>, i32 -> vector<8x8xi32>
      %min3A_745 = arith.minsi %roll3A_742, %min3A_737 : vector<8x8xi32>
      %max3A_746 = arith.maxsi %roll3A_742, %min3A_737 : vector<8x8xi32>
      %min3A_747 = arith.minsi %roll3A_744, %min3A_740 : vector<8x8xi32>
      %min3A_748 = arith.minsi %max3A_746, %min3A_747 : vector<8x8xi32>
      %roll3A_749 = arith.constant 1 : i32
      %roll3A_750 = tpu.dynamic_rotate %min3A_745 by %roll3A_749 dim 0 : vector<8x8xi32>, i32 -> vector<8x8xi32>
      %roll3A_751 = arith.constant 1 : i32
      %roll3A_752 = tpu.dynamic_rotate %min3A_748 by %roll3A_751 dim 0 : vector<8x8xi32>, i32 -> vector<8x8xi32>
      %min3A_753 = arith.minsi %roll3A_750, %min3A_745 : vector<8x8xi32>
      %max3A_754 = arith.maxsi %roll3A_750, %min3A_745 : vector<8x8xi32>
      %min3A_755 = arith.minsi %roll3A_752, %min3A_748 : vector<8x8xi32>
      %min3A_756 = arith.minsi %max3A_754, %min3A_755 : vector<8x8xi32>
      %slice3A_757 = vector.extract_strided_slice %min3A_753 {offsets = [0, 0], sizes = [1, 1], strides = [1, 1]} : vector<8x8xi32> to vector<1x1xi32>
      %squeeze3A_758 = vector.extract %slice3A_757[0, 0] : i32 from vector<1x1xi32>
      %slice3A_759 = vector.extract_strided_slice %min3A_756 {offsets = [0, 0], sizes = [1, 1], strides = [1, 1]} : vector<8x8xi32> to vector<1x1xi32>
      %squeeze3A_760 = vector.extract %slice3A_759[0, 0] : i32 from vector<1x1xi32>
      %eq3A_761 = vector.broadcast %squeeze3A_758 : i32 to vector<20x8x128xi32>
      %eq3A_762 = arith.cmpi eq, %reshape3A, %eq3A_761 : vector<20x8x128xi32>
      %eq3A_763 = vector.broadcast %squeeze3A_760 : i32 to vector<20x8x128xi32>
      %eq3A_764 = arith.cmpi eq, %reshape3A, %eq3A_763 : vector<20x8x128xi32>
      %or3A_765 = arith.ori %eq3A_762, %eq3A_764 : vector<20x8x128xi1>
      %jit3A_766 = arith.constant 0 : i32
      %broadcast_in_dim3A_767 = vector.broadcast %jit3A_766 : i32 to vector<20x8x128xi32>
      %select_n3A_768 = arith.select %or3A_765, %broadcast_in_dim3A_767, %get3A_617 : vector<20x8x128xi1>, vector<20x8x128xi32>
      %swap3A_769 = arith.constant 0 : index
      %swap3A_770 = arith.constant 0 : index
      %swap3A_771 = arith.constant 0 : index
      %swap3A_772 = vector.load %arg7[%swap3A_769, %swap3A_770, %swap3A_771] : memref<20x8x128xi32, #tpu.memory_space<vmem>>, vector<20x8x128xi32>
      tpu.vector_store %arg7[%swap3A_769, %swap3A_770, %swap3A_771], %select_n3A_768 {strides = array<i32>} : memref<20x8x128xi32, #tpu.memory_space<vmem>>, vector<20x8x128xi32>,
      %mul3A_773 = arith.constant 2 : i32
      %mul3A_774 = arith.muli %mul3A_773, %scan3A_613 : i32
      %mul3A_775 = arith.constant 2 : i32
      %mul3A_776 = arith.muli %mul3A_775, %scan3A_613 : i32
      %add3A_777 = arith.constant 1 : i32
      %add3A_778 = arith.addi %mul3A_776, %add3A_777 : i32
      %swap3A_779 = arith.index_cast %mul3A_774 : i32 to index
      %swap3A_780 = memref.load %arg5[%swap3A_779] : memref<256xi32, #tpu.memory_space<smem>>
      memref.store %squeeze3A_758, %arg5[%swap3A_779] : memref<256xi32, #tpu.memory_space<smem>>
      %get3A_781 = arith.index_cast %squeeze3A_758 : i32 to index
      %get3A_782 = arith.constant 0 : index
      %get3A_783 = vector.load %arg1[%get3A_781, %get3A_782] : memref<20000x128xf32, #tpu.memory_space<vmem>>, vector<1x128xf32>
      %swap3A_784 = arith.index_cast %mul3A_774 : i32 to index
      %swap3A_785 = arith.constant 0 : index
      %swap3A_786 = vector.load %arg4[%swap3A_784, %swap3A_785] : memref<256x128xf32, #tpu.memory_space<vmem>>, vector<1x128xf32>
      tpu.vector_store %arg4[%swap3A_784, %swap3A_785], %get3A_783 {strides = array<i32>} : memref<256x128xf32, #tpu.memory_space<vmem>>, vector<1x128xf32>,
      %mul3A_787 = arith.constant 3 : i32
      %mul3A_788 = arith.muli %squeeze3A_758, %mul3A_787 : i32
      %get3A_789 = arith.index_cast %mul3A_788 : i32 to index
      %get3A_790 = memref.load %arg2[%get3A_789] : memref<60000xf32, #tpu.memory_space<smem>>
      %reshape3A_791 = vector.broadcast %get3A_790 : f32 to vector<1x1xf32>
      %add3A_792 = arith.constant 1 : i32
      %add3A_793 = arith.addi %mul3A_788, %add3A_792 : i32
      %get3A_794 = arith.index_cast %add3A_793 : i32 to index
      %get3A_795 = memref.load %arg2[%get3A_794] : memref<60000xf32, #tpu.memory_space<smem>>
      %reshape3A_796 = vector.broadcast %get3A_795 : f32 to vector<1x1xf32>
      %add3A_797 = arith.constant 2 : i32
      %add3A_798 = arith.addi %mul3A_788, %add3A_797 : i32
      %get3A_799 = arith.index_cast %add3A_798 : i32 to index
      %get3A_800 = memref.load %arg2[%get3A_799] : memref<60000xf32, #tpu.memory_space<smem>>
      %reshape3A_801 = vector.broadcast %get3A_800 : f32 to vector<1x1xf32>
      %concatenate3A_802 = tpu.concatenate %reshape3A_791, %reshape3A_796, %reshape3A_801 in 1 : vector<1x1xf32>, vector<1x1xf32>, vector<1x1xf32> -> vector<1x3xf32>
      %swap3A_803 = arith.index_cast %mul3A_774 : i32 to index
      %swap3A_804 = arith.constant 0 : index
      %swap3A_805 = vector.load %arg3[%swap3A_803, %swap3A_804] : memref<256x3xf32, #tpu.memory_space<vmem>>, vector<1x3xf32>
      tpu.vector_store %arg3[%swap3A_803, %swap3A_804], %concatenate3A_802 {strides = array<i32>} : memref<256x3xf32, #tpu.memory_space<vmem>>, vector<1x3xf32>,
      %swap3A_806 = arith.index_cast %add3A_778 : i32 to index
      %swap3A_807 = memref.load %arg5[%swap3A_806] : memref<256xi32, #tpu.memory_space<smem>>
      memref.store %squeeze3A_760, %arg5[%swap3A_806] : memref<256xi32, #tpu.memory_space<smem>>
      %get3A_808 = arith.index_cast %squeeze3A_760 : i32 to index
      %get3A_809 = arith.constant 0 : index
      %get3A_810 = vector.load %arg1[%get3A_808, %get3A_809] : memref<20000x128xf32, #tpu.memory_space<vmem>>, vector<1x128xf32>
      %swap3A_811 = arith.index_cast %add3A_778 : i32 to index
      %swap3A_812 = arith.constant 0 : index
      %swap3A_813 = vector.load %arg4[%swap3A_811, %swap3A_812] : memref<256x128xf32, #tpu.memory_space<vmem>>, vector<1x128xf32>
      tpu.vector_store %arg4[%swap3A_811, %swap3A_812], %get3A_810 {strides = array<i32>} : memref<256x128xf32, #tpu.memory_space<vmem>>, vector<1x128xf32>,
      %mul3A_814 = arith.constant 3 : i32
      %mul3A_815 = arith.muli %squeeze3A_760, %mul3A_814 : i32
      %get3A_816 = arith.index_cast %mul3A_815 : i32 to index
      %get3A_817 = memref.load %arg2[%get3A_816] : memref<60000xf32, #tpu.memory_space<smem>>
      %reshape3A_818 = vector.broadcast %get3A_817 : f32 to vector<1x1xf32>
      %add3A_819 = arith.constant 1 : i32
      %add3A_820 = arith.addi %mul3A_815, %add3A_819 : i32
      %get3A_821 = arith.index_cast %add3A_820 : i32 to index
      %get3A_822 = memref.load %arg2[%get3A_821] : memref<60000xf32, #tpu.memory_space<smem>>
      %reshape3A_823 = vector.broadcast %get3A_822 : f32 to vector<1x1xf32>
      %add3A_824 = arith.constant 2 : i32
      %add3A_825 = arith.addi %mul3A_815, %add3A_824 : i32
      %get3A_826 = arith.index_cast %add3A_825 : i32 to index
      %get3A_827 = memref.load %arg2[%get3A_826] : memref<60000xf32, #tpu.memory_space<smem>>
      %reshape3A_828 = vector.broadcast %get3A_827 : f32 to vector<1x1xf32>
      %concatenate3A_829 = tpu.concatenate %reshape3A_818, %reshape3A_823, %reshape3A_828 in 1 : vector<1x1xf32>, vector<1x1xf32>, vector<1x1xf32> -> vector<1x3xf32>
      %swap3A_830 = arith.index_cast %add3A_778 : i32 to index
      %swap3A_831 = arith.constant 0 : index
      %swap3A_832 = vector.load %arg3[%swap3A_830, %swap3A_831] : memref<256x3xf32, #tpu.memory_space<vmem>>, vector<1x3xf32>
      tpu.vector_store %arg3[%swap3A_830, %swap3A_831], %concatenate3A_829 {strides = array<i32>} : memref<256x3xf32, #tpu.memory_space<vmem>>, vector<1x3xf32>,
    }
    %scan3A_446 = arith.constant 128 : i32
    %get3A_447 = arith.constant 19 : index
    %get3A_448 = arith.constant 0 : index
    %get3A_449 = arith.constant 0 : index
    %get3A_450 = vector.load %arg0[%get3A_447, %get3A_448, %get3A_449] : memref<22x160x128xf32, #tpu.memory_space<vmem>>, vector<1x160x128xf32>
    %get3A_451 = vector.shape_cast %get3A_450 : vector<1x160x128xf32> to vector<160x128xf32>
    %reshape3A_452 = vector.shape_cast %get3A_451 : vector<160x128xf32> to vector<20x8x128xf32>
    %get3A_453 = arith.constant 20 : index
    %get3A_454 = arith.constant 0 : index
    %get3A_455 = arith.constant 0 : index
    %get3A_456 = vector.load %arg0[%get3A_453, %get3A_454, %get3A_455] : memref<22x160x128xf32, #tpu.memory_space<vmem>>, vector<1x160x128xf32>
    %get3A_457 = vector.shape_cast %get3A_456 : vector<1x160x128xf32> to vector<160x128xf32>
    %reshape3A_458 = vector.shape_cast %get3A_457 : vector<160x128xf32> to vector<20x8x128xf32>
    %get3A_459 = arith.constant 21 : index
    %get3A_460 = arith.constant 0 : index
    %get3A_461 = arith.constant 0 : index
    %get3A_462 = vector.load %arg0[%get3A_459, %get3A_460, %get3A_461] : memref<22x160x128xf32, #tpu.memory_space<vmem>>, vector<1x160x128xf32>
    %get3A_463 = vector.shape_cast %get3A_462 : vector<1x160x128xf32> to vector<160x128xf32>
    %reshape3A_464 = vector.shape_cast %get3A_463 : vector<160x128xf32> to vector<20x8x128xf32>
    %swap3A_465 = arith.constant 0 : i32
    %swap3A_466 = arith.constant 0 : index
    %swap3A_467 = memref.load %arg6[%swap3A_466] : memref<2048xi32, #tpu.memory_space<smem>>
    memref.store %swap3A_465, %arg6[%swap3A_466] : memref<2048xi32, #tpu.memory_space<smem>>
    %get3A_468 = arith.constant 0 : index
    %get3A_469 = memref.load %arg2[%get3A_468] : memref<60000xf32, #tpu.memory_space<smem>>
    %get3A_470 = arith.constant 1 : index
    %get3A_471 = memref.load %arg2[%get3A_470] : memref<60000xf32, #tpu.memory_space<smem>>
    %get3A_472 = arith.constant 2 : index
    %get3A_473 = memref.load %arg2[%get3A_472] : memref<60000xf32, #tpu.memory_space<smem>>
    %lt3A_474 = arith.constant 20000 : i32
    %lt3A_475 = vector.broadcast %lt3A_474 : i32 to vector<20x8x128xi32>
    %lt3A_476 = arith.cmpi slt, %reshape3A, %lt3A_475 : vector<20x8x128xi32>
    %jit3A_477 = arith.constant 0x7F800000 : f32
    %jit3A_478 = arith.constant 0xFF800000 : f32
    %broadcast_in_dim3A_479 = vector.broadcast %jit3A_477 : f32 to vector<20x8x128xf32>
    %broadcast_in_dim3A_480 = vector.broadcast %jit3A_478 : f32 to vector<20x8x128xf32>
    %select_n3A_481 = arith.select %lt3A_476, %broadcast_in_dim3A_479, %broadcast_in_dim3A_480 : vector<20x8x128xi1>, vector<20x8x128xf32>
    %scan3A_482 = arith.constant 0 : i32
    %scan3A_483 = arith.constant 1023 : i32
    %scan3A_484 = arith.addi %scan3A_482, %scan3A_483 : i32
    %scan3A_485 = arith.constant 1 : i32
    %scan3A_486:4 = scf.for %scan3A_613 = %scan3A_482 to %scan3A_484 step %scan3A_485 iter_args(%scan3A_614 = %get3A_469, %scan3A_615 = %get3A_471, %scan3A_616 = %get3A_473, %scan3A_617 = %select_n3A_481) -> (f32, f32, f32, vector<20x8x128xf32>)  : i32 {
      %mul3A_618 = arith.constant 2 : i32
      %mul3A_619 = arith.muli %mul3A_618, %scan3A_613 : i32
      %add3A_620 = arith.constant 1 : i32
      %add3A_621 = arith.addi %mul3A_619, %add3A_620 : i32
      %sub3A_622 = vector.broadcast %scan3A_614 : f32 to vector<20x8x128xf32>
      %sub3A_623 = arith.subf %reshape3A_452, %sub3A_622 : vector<20x8x128xf32>
      %sub3A_624 = vector.broadcast %scan3A_615 : f32 to vector<20x8x128xf32>
      %sub3A_625 = arith.subf %reshape3A_458, %sub3A_624 : vector<20x8x128xf32>
      %sub3A_626 = vector.broadcast %scan3A_616 : f32 to vector<20x8x128xf32>
      %sub3A_627 = arith.subf %reshape3A_464, %sub3A_626 : vector<20x8x128xf32>
      %mul3A_628 = arith.mulf %sub3A_623, %sub3A_623 : vector<20x8x128xf32>
      %mul3A_629 = arith.mulf %sub3A_625, %sub3A_625 : vector<20x8x128xf32>
      %add3A_630 = arith.addf %mul3A_628, %mul3A_629 : vector<20x8x128xf32>
      %mul3A_631 = arith.mulf %sub3A_627, %sub3A_627 : vector<20x8x128xf32>
      %add3A_632 = arith.addf %add3A_630, %mul3A_631 : vector<20x8x128xf32>
      %min3A_633 = arith.minimumf %scan3A_617, %add3A_632 : vector<20x8x128xf32>
      %slice3A_634 = vector.extract_strided_slice %min3A_633 {offsets = [0, 0, 0], sizes = [10, 8, 128], strides = [1, 1, 1]} : vector<20x8x128xf32> to vector<10x8x128xf32>
      %slice3A_635 = vector.extract_strided_slice %min3A_633 {offsets = [10, 0, 0], sizes = [10, 8, 128], strides = [1, 1, 1]} : vector<20x8x128xf32> to vector<10x8x128xf32>
      %max3A_636 = arith.maximumf %slice3A_634, %slice3A_635 : vector<10x8x128xf32>
      %slice3A_637 = vector.extract_strided_slice %max3A_636 {offsets = [0, 0, 0], sizes = [5, 8, 128], strides = [1, 1, 1]} : vector<10x8x128xf32> to vector<5x8x128xf32>
      %slice3A_638 = vector.extract_strided_slice %max3A_636 {offsets = [5, 0, 0], sizes = [5, 8, 128], strides = [1, 1, 1]} : vector<10x8x128xf32> to vector<5x8x128xf32>
      %max3A_639 = arith.maximumf %slice3A_637, %slice3A_638 : vector<5x8x128xf32>
      %slice3A_640 = vector.extract_strided_slice %max3A_639 {offsets = [0, 0, 0], sizes = [2, 8, 128], strides = [1, 1, 1]} : vector<5x8x128xf32> to vector<2x8x128xf32>
      %slice3A_641 = vector.extract_strided_slice %max3A_639 {offsets = [2, 0, 0], sizes = [2, 8, 128], strides = [1, 1, 1]} : vector<5x8x128xf32> to vector<2x8x128xf32>
      %max3A_642 = arith.maximumf %slice3A_640, %slice3A_641 : vector<2x8x128xf32>
      %slice3A_643 = vector.extract_strided_slice %max3A_639 {offsets = [4, 0, 0], sizes = [1, 8, 128], strides = [1, 1, 1]} : vector<5x8x128xf32> to vector<1x8x128xf32>
      %concatenate3A_644 = tpu.concatenate %max3A_642, %slice3A_643 in 0 : vector<2x8x128xf32>, vector<1x8x128xf32> -> vector<3x8x128xf32>
      %slice3A_645 = vector.extract_strided_slice %concatenate3A_644 {offsets = [0, 0, 0], sizes = [1, 8, 128], strides = [1, 1, 1]} : vector<3x8x128xf32> to vector<1x8x128xf32>
      %slice3A_646 = vector.extract_strided_slice %concatenate3A_644 {offsets = [1, 0, 0], sizes = [1, 8, 128], strides = [1, 1, 1]} : vector<3x8x128xf32> to vector<1x8x128xf32>
      %max3A_647 = arith.maximumf %slice3A_645, %slice3A_646 : vector<1x8x128xf32>
      %slice3A_648 = vector.extract_strided_slice %concatenate3A_644 {offsets = [2, 0, 0], sizes = [1, 8, 128], strides = [1, 1, 1]} : vector<3x8x128xf32> to vector<1x8x128xf32>
      %concatenate3A_649 = tpu.concatenate %max3A_647, %slice3A_648 in 0 : vector<1x8x128xf32>, vector<1x8x128xf32> -> vector<2x8x128xf32>
      %slice3A_650 = vector.extract_strided_slice %concatenate3A_649 {offsets = [0, 0, 0], sizes = [1, 8, 128], strides = [1, 1, 1]} : vector<2x8x128xf32> to vector<1x8x128xf32>
      %slice3A_651 = vector.extract_strided_slice %concatenate3A_649 {offsets = [1, 0, 0], sizes = [1, 8, 128], strides = [1, 1, 1]} : vector<2x8x128xf32> to vector<1x8x128xf32>
      %max3A_652 = arith.maximumf %slice3A_650, %slice3A_651 : vector<1x8x128xf32>
      %reshape3A_653 = vector.shape_cast %max3A_652 : vector<1x8x128xf32> to vector<8x128xf32>
      %roll3A_654 = arith.constant 4 : i32
      %roll3A_655 = tpu.dynamic_rotate %reshape3A_653 by %roll3A_654 dim 0 : vector<8x128xf32>, i32 -> vector<8x128xf32>
      %max3A_656 = arith.maximumf %reshape3A_653, %roll3A_655 : vector<8x128xf32>
      %roll3A_657 = arith.constant 2 : i32
      %roll3A_658 = tpu.dynamic_rotate %max3A_656 by %roll3A_657 dim 0 : vector<8x128xf32>, i32 -> vector<8x128xf32>
      %max3A_659 = arith.maximumf %max3A_656, %roll3A_658 : vector<8x128xf32>
      %roll3A_660 = arith.constant 1 : i32
      %roll3A_661 = tpu.dynamic_rotate %max3A_659 by %roll3A_660 dim 0 : vector<8x128xf32>, i32 -> vector<8x128xf32>
      %max3A_662 = arith.maximumf %max3A_659, %roll3A_661 : vector<8x128xf32>
      %broadcast_in_dim3A_663 = vector.shape_cast %max3A_662 : vector<8x128xf32> to vector<1x8x128xf32>
      %eq3A_664 = vector.broadcast %broadcast_in_dim3A_663 : vector<1x8x128xf32> to vector<20x8x128xf32>
      %eq3A_665 = arith.cmpf oeq, %min3A_633, %eq3A_664 : vector<20x8x128xf32>
      %jit3A_666 = arith.constant 1073741824 : i32
      %broadcast_in_dim3A_667 = vector.broadcast %jit3A_666 : i32 to vector<20x8x128xi32>
      %select_n3A_668 = arith.select %eq3A_665, %reshape3A, %broadcast_in_dim3A_667 : vector<20x8x128xi1>, vector<20x8x128xi32>
      %slice3A_669 = vector.extract_strided_slice %select_n3A_668 {offsets = [0, 0, 0], sizes = [10, 8, 128], strides = [1, 1, 1]} : vector<20x8x128xi32> to vector<10x8x128xi32>
      %slice3A_670 = vector.extract_strided_slice %select_n3A_668 {offsets = [10, 0, 0], sizes = [10, 8, 128], strides = [1, 1, 1]} : vector<20x8x128xi32> to vector<10x8x128xi32>
      %min3A_671 = arith.minsi %slice3A_669, %slice3A_670 : vector<10x8x128xi32>
      %slice3A_672 = vector.extract_strided_slice %min3A_671 {offsets = [0, 0, 0], sizes = [5, 8, 128], strides = [1, 1, 1]} : vector<10x8x128xi32> to vector<5x8x128xi32>
      %slice3A_673 = vector.extract_strided_slice %min3A_671 {offsets = [5, 0, 0], sizes = [5, 8, 128], strides = [1, 1, 1]} : vector<10x8x128xi32> to vector<5x8x128xi32>
      %min3A_674 = arith.minsi %slice3A_672, %slice3A_673 : vector<5x8x128xi32>
      %slice3A_675 = vector.extract_strided_slice %min3A_674 {offsets = [0, 0, 0], sizes = [2, 8, 128], strides = [1, 1, 1]} : vector<5x8x128xi32> to vector<2x8x128xi32>
      %slice3A_676 = vector.extract_strided_slice %min3A_674 {offsets = [2, 0, 0], sizes = [2, 8, 128], strides = [1, 1, 1]} : vector<5x8x128xi32> to vector<2x8x128xi32>
      %min3A_677 = arith.minsi %slice3A_675, %slice3A_676 : vector<2x8x128xi32>
      %slice3A_678 = vector.extract_strided_slice %min3A_674 {offsets = [4, 0, 0], sizes = [1, 8, 128], strides = [1, 1, 1]} : vector<5x8x128xi32> to vector<1x8x128xi32>
      %concatenate3A_679 = tpu.concatenate %min3A_677, %slice3A_678 in 0 : vector<2x8x128xi32>, vector<1x8x128xi32> -> vector<3x8x128xi32>
      %slice3A_680 = vector.extract_strided_slice %concatenate3A_679 {offsets = [0, 0, 0], sizes = [1, 8, 128], strides = [1, 1, 1]} : vector<3x8x128xi32> to vector<1x8x128xi32>
      %slice3A_681 = vector.extract_strided_slice %concatenate3A_679 {offsets = [1, 0, 0], sizes = [1, 8, 128], strides = [1, 1, 1]} : vector<3x8x128xi32> to vector<1x8x128xi32>
      %min3A_682 = arith.minsi %slice3A_680, %slice3A_681 : vector<1x8x128xi32>
      %slice3A_683 = vector.extract_strided_slice %concatenate3A_679 {offsets = [2, 0, 0], sizes = [1, 8, 128], strides = [1, 1, 1]} : vector<3x8x128xi32> to vector<1x8x128xi32>
      %concatenate3A_684 = tpu.concatenate %min3A_682, %slice3A_683 in 0 : vector<1x8x128xi32>, vector<1x8x128xi32> -> vector<2x8x128xi32>
      %slice3A_685 = vector.extract_strided_slice %concatenate3A_684 {offsets = [0, 0, 0], sizes = [1, 8, 128], strides = [1, 1, 1]} : vector<2x8x128xi32> to vector<1x8x128xi32>
      %slice3A_686 = vector.extract_strided_slice %concatenate3A_684 {offsets = [1, 0, 0], sizes = [1, 8, 128], strides = [1, 1, 1]} : vector<2x8x128xi32> to vector<1x8x128xi32>
      %min3A_687 = arith.minsi %slice3A_685, %slice3A_686 : vector<1x8x128xi32>
      %reshape3A_688 = vector.shape_cast %min3A_687 : vector<1x8x128xi32> to vector<8x128xi32>
      %roll3A_689 = arith.constant 4 : i32
      %roll3A_690 = tpu.dynamic_rotate %reshape3A_688 by %roll3A_689 dim 0 : vector<8x128xi32>, i32 -> vector<8x128xi32>
      %min3A_691 = arith.minsi %reshape3A_688, %roll3A_690 : vector<8x128xi32>
      %roll3A_692 = arith.constant 2 : i32
      %roll3A_693 = tpu.dynamic_rotate %min3A_691 by %roll3A_692 dim 0 : vector<8x128xi32>, i32 -> vector<8x128xi32>
      %min3A_694 = arith.minsi %min3A_691, %roll3A_693 : vector<8x128xi32>
      %roll3A_695 = arith.constant 1 : i32
      %roll3A_696 = tpu.dynamic_rotate %min3A_694 by %roll3A_695 dim 0 : vector<8x128xi32>, i32 -> vector<8x128xi32>
      %min3A_697 = arith.minsi %min3A_694, %roll3A_696 : vector<8x128xi32>
      %transpose3A_698 = tpu.transpose %max3A_662, [1, 0] : vector<8x128xf32> -> vector<128x8xf32>
      %transpose3A_699 = tpu.transpose %min3A_697, [1, 0] : vector<8x128xi32> -> vector<128x8xi32>
      %slice3A_700 = vector.extract_strided_slice %transpose3A_698 {offsets = [0, 0], sizes = [64, 8], strides = [1, 1]} : vector<128x8xf32> to vector<64x8xf32>
      %slice3A_701 = vector.extract_strided_slice %transpose3A_698 {offsets = [64, 0], sizes = [64, 8], strides = [1, 1]} : vector<128x8xf32> to vector<64x8xf32>
      %max3A_702 = arith.maximumf %slice3A_700, %slice3A_701 : vector<64x8xf32>
      %slice3A_703 = vector.extract_strided_slice %max3A_702 {offsets = [0, 0], sizes = [32, 8], strides = [1, 1]} : vector<64x8xf32> to vector<32x8xf32>
      %slice3A_704 = vector.extract_strided_slice %max3A_702 {offsets = [32, 0], sizes = [32, 8], strides = [1, 1]} : vector<64x8xf32> to vector<32x8xf32>
      %max3A_705 = arith.maximumf %slice3A_703, %slice3A_704 : vector<32x8xf32>
      %slice3A_706 = vector.extract_strided_slice %max3A_705 {offsets = [0, 0], sizes = [16, 8], strides = [1, 1]} : vector<32x8xf32> to vector<16x8xf32>
      %slice3A_707 = vector.extract_strided_slice %max3A_705 {offsets = [16, 0], sizes = [16, 8], strides = [1, 1]} : vector<32x8xf32> to vector<16x8xf32>
      %max3A_708 = arith.maximumf %slice3A_706, %slice3A_707 : vector<16x8xf32>
      %slice3A_709 = vector.extract_strided_slice %max3A_708 {offsets = [0, 0], sizes = [8, 8], strides = [1, 1]} : vector<16x8xf32> to vector<8x8xf32>
      %slice3A_710 = vector.extract_strided_slice %max3A_708 {offsets = [8, 0], sizes = [8, 8], strides = [1, 1]} : vector<16x8xf32> to vector<8x8xf32>
      %max3A_711 = arith.maximumf %slice3A_709, %slice3A_710 : vector<8x8xf32>
      %roll3A_712 = arith.constant 4 : i32
      %roll3A_713 = tpu.dynamic_rotate %max3A_711 by %roll3A_712 dim 0 : vector<8x8xf32>, i32 -> vector<8x8xf32>
      %max3A_714 = arith.maximumf %max3A_711, %roll3A_713 : vector<8x8xf32>
      %roll3A_715 = arith.constant 2 : i32
      %roll3A_716 = tpu.dynamic_rotate %max3A_714 by %roll3A_715 dim 0 : vector<8x8xf32>, i32 -> vector<8x8xf32>
      %max3A_717 = arith.maximumf %max3A_714, %roll3A_716 : vector<8x8xf32>
      %roll3A_718 = arith.constant 1 : i32
      %roll3A_719 = tpu.dynamic_rotate %max3A_717 by %roll3A_718 dim 0 : vector<8x8xf32>, i32 -> vector<8x8xf32>
      %max3A_720 = arith.maximumf %max3A_717, %roll3A_719 : vector<8x8xf32>
      %slice3A_721 = vector.extract_strided_slice %max3A_720 {offsets = [0, 0], sizes = [1, 8], strides = [1, 1]} : vector<8x8xf32> to vector<1x8xf32>
      %eq3A_722 = vector.broadcast %slice3A_721 : vector<1x8xf32> to vector<128x8xf32>
      %eq3A_723 = arith.cmpf oeq, %transpose3A_698, %eq3A_722 : vector<128x8xf32>
      %jit3A_724 = arith.constant 1073741824 : i32
      %broadcast_in_dim3A_725 = vector.broadcast %jit3A_724 : i32 to vector<128x8xi32>
      %select_n3A_726 = arith.select %eq3A_723, %transpose3A_699, %broadcast_in_dim3A_725 : vector<128x8xi1>, vector<128x8xi32>
      %slice3A_727 = vector.extract_strided_slice %select_n3A_726 {offsets = [0, 0], sizes = [64, 8], strides = [1, 1]} : vector<128x8xi32> to vector<64x8xi32>
      %slice3A_728 = vector.extract_strided_slice %select_n3A_726 {offsets = [64, 0], sizes = [64, 8], strides = [1, 1]} : vector<128x8xi32> to vector<64x8xi32>
      %min3A_729 = arith.minsi %slice3A_727, %slice3A_728 : vector<64x8xi32>
      %slice3A_730 = vector.extract_strided_slice %min3A_729 {offsets = [0, 0], sizes = [32, 8], strides = [1, 1]} : vector<64x8xi32> to vector<32x8xi32>
      %slice3A_731 = vector.extract_strided_slice %min3A_729 {offsets = [32, 0], sizes = [32, 8], strides = [1, 1]} : vector<64x8xi32> to vector<32x8xi32>
      %min3A_732 = arith.minsi %slice3A_730, %slice3A_731 : vector<32x8xi32>
      %slice3A_733 = vector.extract_strided_slice %min3A_732 {offsets = [0, 0], sizes = [16, 8], strides = [1, 1]} : vector<32x8xi32> to vector<16x8xi32>
      %slice3A_734 = vector.extract_strided_slice %min3A_732 {offsets = [16, 0], sizes = [16, 8], strides = [1, 1]} : vector<32x8xi32> to vector<16x8xi32>
      %min3A_735 = arith.minsi %slice3A_733, %slice3A_734 : vector<16x8xi32>
      %slice3A_736 = vector.extract_strided_slice %min3A_735 {offsets = [0, 0], sizes = [8, 8], strides = [1, 1]} : vector<16x8xi32> to vector<8x8xi32>
      %slice3A_737 = vector.extract_strided_slice %min3A_735 {offsets = [8, 0], sizes = [8, 8], strides = [1, 1]} : vector<16x8xi32> to vector<8x8xi32>
      %min3A_738 = arith.minsi %slice3A_736, %slice3A_737 : vector<8x8xi32>
      %roll3A_739 = arith.constant 4 : i32
      %roll3A_740 = tpu.dynamic_rotate %min3A_738 by %roll3A_739 dim 0 : vector<8x8xi32>, i32 -> vector<8x8xi32>
      %min3A_741 = arith.minsi %min3A_738, %roll3A_740 : vector<8x8xi32>
      %roll3A_742 = arith.constant 2 : i32
      %roll3A_743 = tpu.dynamic_rotate %min3A_741 by %roll3A_742 dim 0 : vector<8x8xi32>, i32 -> vector<8x8xi32>
      %min3A_744 = arith.minsi %min3A_741, %roll3A_743 : vector<8x8xi32>
      %roll3A_745 = arith.constant 1 : i32
      %roll3A_746 = tpu.dynamic_rotate %min3A_744 by %roll3A_745 dim 0 : vector<8x8xi32>, i32 -> vector<8x8xi32>
      %min3A_747 = arith.minsi %min3A_744, %roll3A_746 : vector<8x8xi32>
      %slice3A_748 = vector.extract_strided_slice %min3A_747 {offsets = [0, 0], sizes = [1, 1], strides = [1, 1]} : vector<8x8xi32> to vector<1x1xi32>
      %squeeze3A_749 = vector.extract %slice3A_748[0, 0] : i32 from vector<1x1xi32>
      %swap3A_750 = arith.index_cast %add3A_621 : i32 to index
      %swap3A_751 = memref.load %arg6[%swap3A_750] : memref<2048xi32, #tpu.memory_space<smem>>
      memref.store %squeeze3A_749, %arg6[%swap3A_750] : memref<2048xi32, #tpu.memory_space<smem>>
      %mul3A_752 = arith.constant 3 : i32
      %mul3A_753 = arith.muli %squeeze3A_749, %mul3A_752 : i32
      %get3A_754 = arith.index_cast %mul3A_753 : i32 to index
      %get3A_755 = memref.load %arg2[%get3A_754] : memref<60000xf32, #tpu.memory_space<smem>>
      %add3A_756 = arith.constant 1 : i32
      %add3A_757 = arith.addi %mul3A_753, %add3A_756 : i32
      %get3A_758 = arith.index_cast %add3A_757 : i32 to index
      %get3A_759 = memref.load %arg2[%get3A_758] : memref<60000xf32, #tpu.memory_space<smem>>
      %add3A_760 = arith.constant 2 : i32
      %add3A_761 = arith.addi %mul3A_753, %add3A_760 : i32
      %get3A_762 = arith.index_cast %add3A_761 : i32 to index
      %get3A_763 = memref.load %arg2[%get3A_762] : memref<60000xf32, #tpu.memory_space<smem>>
      %add3A_764 = arith.constant 1 : i32
      %add3A_765 = arith.addi %add3A_621, %add3A_764 : i32
      %sub3A_766 = vector.broadcast %get3A_755 : f32 to vector<20x8x128xf32>
      %sub3A_767 = arith.subf %reshape3A_452, %sub3A_766 : vector<20x8x128xf32>
      %sub3A_768 = vector.broadcast %get3A_759 : f32 to vector<20x8x128xf32>
      %sub3A_769 = arith.subf %reshape3A_458, %sub3A_768 : vector<20x8x128xf32>
      %sub3A_770 = vector.broadcast %get3A_763 : f32 to vector<20x8x128xf32>
      %sub3A_771 = arith.subf %reshape3A_464, %sub3A_770 : vector<20x8x128xf32>
      %mul3A_772 = arith.mulf %sub3A_767, %sub3A_767 : vector<20x8x128xf32>
      %mul3A_773 = arith.mulf %sub3A_769, %sub3A_769 : vector<20x8x128xf32>
      %add3A_774 = arith.addf %mul3A_772, %mul3A_773 : vector<20x8x128xf32>
      %mul3A_775 = arith.mulf %sub3A_771, %sub3A_771 : vector<20x8x128xf32>
      %add3A_776 = arith.addf %add3A_774, %mul3A_775 : vector<20x8x128xf32>
      %min3A_777 = arith.minimumf %min3A_633, %add3A_776 : vector<20x8x128xf32>
      %slice3A_778 = vector.extract_strided_slice %min3A_777 {offsets = [0, 0, 0], sizes = [10, 8, 128], strides = [1, 1, 1]} : vector<20x8x128xf32> to vector<10x8x128xf32>
      %slice3A_779 = vector.extract_strided_slice %min3A_777 {offsets = [10, 0, 0], sizes = [10, 8, 128], strides = [1, 1, 1]} : vector<20x8x128xf32> to vector<10x8x128xf32>
      %max3A_780 = arith.maximumf %slice3A_778, %slice3A_779 : vector<10x8x128xf32>
      %slice3A_781 = vector.extract_strided_slice %max3A_780 {offsets = [0, 0, 0], sizes = [5, 8, 128], strides = [1, 1, 1]} : vector<10x8x128xf32> to vector<5x8x128xf32>
      %slice3A_782 = vector.extract_strided_slice %max3A_780 {offsets = [5, 0, 0], sizes = [5, 8, 128], strides = [1, 1, 1]} : vector<10x8x128xf32> to vector<5x8x128xf32>
      %max3A_783 = arith.maximumf %slice3A_781, %slice3A_782 : vector<5x8x128xf32>
      %slice3A_784 = vector.extract_strided_slice %max3A_783 {offsets = [0, 0, 0], sizes = [2, 8, 128], strides = [1, 1, 1]} : vector<5x8x128xf32> to vector<2x8x128xf32>
      %slice3A_785 = vector.extract_strided_slice %max3A_783 {offsets = [2, 0, 0], sizes = [2, 8, 128], strides = [1, 1, 1]} : vector<5x8x128xf32> to vector<2x8x128xf32>
      %max3A_786 = arith.maximumf %slice3A_784, %slice3A_785 : vector<2x8x128xf32>
      %slice3A_787 = vector.extract_strided_slice %max3A_783 {offsets = [4, 0, 0], sizes = [1, 8, 128], strides = [1, 1, 1]} : vector<5x8x128xf32> to vector<1x8x128xf32>
      %concatenate3A_788 = tpu.concatenate %max3A_786, %slice3A_787 in 0 : vector<2x8x128xf32>, vector<1x8x128xf32> -> vector<3x8x128xf32>
      %slice3A_789 = vector.extract_strided_slice %concatenate3A_788 {offsets = [0, 0, 0], sizes = [1, 8, 128], strides = [1, 1, 1]} : vector<3x8x128xf32> to vector<1x8x128xf32>
      %slice3A_790 = vector.extract_strided_slice %concatenate3A_788 {offsets = [1, 0, 0], sizes = [1, 8, 128], strides = [1, 1, 1]} : vector<3x8x128xf32> to vector<1x8x128xf32>
      %max3A_791 = arith.maximumf %slice3A_789, %slice3A_790 : vector<1x8x128xf32>
      %slice3A_792 = vector.extract_strided_slice %concatenate3A_788 {offsets = [2, 0, 0], sizes = [1, 8, 128], strides = [1, 1, 1]} : vector<3x8x128xf32> to vector<1x8x128xf32>
      %concatenate3A_793 = tpu.concatenate %max3A_791, %slice3A_792 in 0 : vector<1x8x128xf32>, vector<1x8x128xf32> -> vector<2x8x128xf32>
      %slice3A_794 = vector.extract_strided_slice %concatenate3A_793 {offsets = [0, 0, 0], sizes = [1, 8, 128], strides = [1, 1, 1]} : vector<2x8x128xf32> to vector<1x8x128xf32>
      %slice3A_795 = vector.extract_strided_slice %concatenate3A_793 {offsets = [1, 0, 0], sizes = [1, 8, 128], strides = [1, 1, 1]} : vector<2x8x128xf32> to vector<1x8x128xf32>
      %max3A_796 = arith.maximumf %slice3A_794, %slice3A_795 : vector<1x8x128xf32>
      %reshape3A_797 = vector.shape_cast %max3A_796 : vector<1x8x128xf32> to vector<8x128xf32>
      %roll3A_798 = arith.constant 4 : i32
      %roll3A_799 = tpu.dynamic_rotate %reshape3A_797 by %roll3A_798 dim 0 : vector<8x128xf32>, i32 -> vector<8x128xf32>
      %max3A_800 = arith.maximumf %reshape3A_797, %roll3A_799 : vector<8x128xf32>
      %roll3A_801 = arith.constant 2 : i32
      %roll3A_802 = tpu.dynamic_rotate %max3A_800 by %roll3A_801 dim 0 : vector<8x128xf32>, i32 -> vector<8x128xf32>
      %max3A_803 = arith.maximumf %max3A_800, %roll3A_802 : vector<8x128xf32>
      %roll3A_804 = arith.constant 1 : i32
      %roll3A_805 = tpu.dynamic_rotate %max3A_803 by %roll3A_804 dim 0 : vector<8x128xf32>, i32 -> vector<8x128xf32>
      %max3A_806 = arith.maximumf %max3A_803, %roll3A_805 : vector<8x128xf32>
      %broadcast_in_dim3A_807 = vector.shape_cast %max3A_806 : vector<8x128xf32> to vector<1x8x128xf32>
      %eq3A_808 = vector.broadcast %broadcast_in_dim3A_807 : vector<1x8x128xf32> to vector<20x8x128xf32>
      %eq3A_809 = arith.cmpf oeq, %min3A_777, %eq3A_808 : vector<20x8x128xf32>
      %jit3A_810 = arith.constant 1073741824 : i32
      %broadcast_in_dim3A_811 = vector.broadcast %jit3A_810 : i32 to vector<20x8x128xi32>
      %select_n3A_812 = arith.select %eq3A_809, %reshape3A, %broadcast_in_dim3A_811 : vector<20x8x128xi1>, vector<20x8x128xi32>
      %slice3A_813 = vector.extract_strided_slice %select_n3A_812 {offsets = [0, 0, 0], sizes = [10, 8, 128], strides = [1, 1, 1]} : vector<20x8x128xi32> to vector<10x8x128xi32>
      %slice3A_814 = vector.extract_strided_slice %select_n3A_812 {offsets = [10, 0, 0], sizes = [10, 8, 128], strides = [1, 1, 1]} : vector<20x8x128xi32> to vector<10x8x128xi32>
      %min3A_815 = arith.minsi %slice3A_813, %slice3A_814 : vector<10x8x128xi32>
      %slice3A_816 = vector.extract_strided_slice %min3A_815 {offsets = [0, 0, 0], sizes = [5, 8, 128], strides = [1, 1, 1]} : vector<10x8x128xi32> to vector<5x8x128xi32>
      %slice3A_817 = vector.extract_strided_slice %min3A_815 {offsets = [5, 0, 0], sizes = [5, 8, 128], strides = [1, 1, 1]} : vector<10x8x128xi32> to vector<5x8x128xi32>
      %min3A_818 = arith.minsi %slice3A_816, %slice3A_817 : vector<5x8x128xi32>
      %slice3A_819 = vector.extract_strided_slice %min3A_818 {offsets = [0, 0, 0], sizes = [2, 8, 128], strides = [1, 1, 1]} : vector<5x8x128xi32> to vector<2x8x128xi32>
      %slice3A_820 = vector.extract_strided_slice %min3A_818 {offsets = [2, 0, 0], sizes = [2, 8, 128], strides = [1, 1, 1]} : vector<5x8x128xi32> to vector<2x8x128xi32>
      %min3A_821 = arith.minsi %slice3A_819, %slice3A_820 : vector<2x8x128xi32>
      %slice3A_822 = vector.extract_strided_slice %min3A_818 {offsets = [4, 0, 0], sizes = [1, 8, 128], strides = [1, 1, 1]} : vector<5x8x128xi32> to vector<1x8x128xi32>
      %concatenate3A_823 = tpu.concatenate %min3A_821, %slice3A_822 in 0 : vector<2x8x128xi32>, vector<1x8x128xi32> -> vector<3x8x128xi32>
      %slice3A_824 = vector.extract_strided_slice %concatenate3A_823 {offsets = [0, 0, 0], sizes = [1, 8, 128], strides = [1, 1, 1]} : vector<3x8x128xi32> to vector<1x8x128xi32>
      %slice3A_825 = vector.extract_strided_slice %concatenate3A_823 {offsets = [1, 0, 0], sizes = [1, 8, 128], strides = [1, 1, 1]} : vector<3x8x128xi32> to vector<1x8x128xi32>
      %min3A_826 = arith.minsi %slice3A_824, %slice3A_825 : vector<1x8x128xi32>
      %slice3A_827 = vector.extract_strided_slice %concatenate3A_823 {offsets = [2, 0, 0], sizes = [1, 8, 128], strides = [1, 1, 1]} : vector<3x8x128xi32> to vector<1x8x128xi32>
      %concatenate3A_828 = tpu.concatenate %min3A_826, %slice3A_827 in 0 : vector<1x8x128xi32>, vector<1x8x128xi32> -> vector<2x8x128xi32>
      %slice3A_829 = vector.extract_strided_slice %concatenate3A_828 {offsets = [0, 0, 0], sizes = [1, 8, 128], strides = [1, 1, 1]} : vector<2x8x128xi32> to vector<1x8x128xi32>
      %slice3A_830 = vector.extract_strided_slice %concatenate3A_828 {offsets = [1, 0, 0], sizes = [1, 8, 128], strides = [1, 1, 1]} : vector<2x8x128xi32> to vector<1x8x128xi32>
      %min3A_831 = arith.minsi %slice3A_829, %slice3A_830 : vector<1x8x128xi32>
      %reshape3A_832 = vector.shape_cast %min3A_831 : vector<1x8x128xi32> to vector<8x128xi32>
      %roll3A_833 = arith.constant 4 : i32
      %roll3A_834 = tpu.dynamic_rotate %reshape3A_832 by %roll3A_833 dim 0 : vector<8x128xi32>, i32 -> vector<8x128xi32>
      %min3A_835 = arith.minsi %reshape3A_832, %roll3A_834 : vector<8x128xi32>
      %roll3A_836 = arith.constant 2 : i32
      %roll3A_837 = tpu.dynamic_rotate %min3A_835 by %roll3A_836 dim 0 : vector<8x128xi32>, i32 -> vector<8x128xi32>
      %min3A_838 = arith.minsi %min3A_835, %roll3A_837 : vector<8x128xi32>
      %roll3A_839 = arith.constant 1 : i32
      %roll3A_840 = tpu.dynamic_rotate %min3A_838 by %roll3A_839 dim 0 : vector<8x128xi32>, i32 -> vector<8x128xi32>
      %min3A_841 = arith.minsi %min3A_838, %roll3A_840 : vector<8x128xi32>
      %transpose3A_842 = tpu.transpose %max3A_806, [1, 0] : vector<8x128xf32> -> vector<128x8xf32>
      %transpose3A_843 = tpu.transpose %min3A_841, [1, 0] : vector<8x128xi32> -> vector<128x8xi32>
      %slice3A_844 = vector.extract_strided_slice %transpose3A_842 {offsets = [0, 0], sizes = [64, 8], strides = [1, 1]} : vector<128x8xf32> to vector<64x8xf32>
      %slice3A_845 = vector.extract_strided_slice %transpose3A_842 {offsets = [64, 0], sizes = [64, 8], strides = [1, 1]} : vector<128x8xf32> to vector<64x8xf32>
      %max3A_846 = arith.maximumf %slice3A_844, %slice3A_845 : vector<64x8xf32>
      %slice3A_847 = vector.extract_strided_slice %max3A_846 {offsets = [0, 0], sizes = [32, 8], strides = [1, 1]} : vector<64x8xf32> to vector<32x8xf32>
      %slice3A_848 = vector.extract_strided_slice %max3A_846 {offsets = [32, 0], sizes = [32, 8], strides = [1, 1]} : vector<64x8xf32> to vector<32x8xf32>
      %max3A_849 = arith.maximumf %slice3A_847, %slice3A_848 : vector<32x8xf32>
      %slice3A_850 = vector.extract_strided_slice %max3A_849 {offsets = [0, 0], sizes = [16, 8], strides = [1, 1]} : vector<32x8xf32> to vector<16x8xf32>
      %slice3A_851 = vector.extract_strided_slice %max3A_849 {offsets = [16, 0], sizes = [16, 8], strides = [1, 1]} : vector<32x8xf32> to vector<16x8xf32>
      %max3A_852 = arith.maximumf %slice3A_850, %slice3A_851 : vector<16x8xf32>
      %slice3A_853 = vector.extract_strided_slice %max3A_852 {offsets = [0, 0], sizes = [8, 8], strides = [1, 1]} : vector<16x8xf32> to vector<8x8xf32>
      %slice3A_854 = vector.extract_strided_slice %max3A_852 {offsets = [8, 0], sizes = [8, 8], strides = [1, 1]} : vector<16x8xf32> to vector<8x8xf32>
      %max3A_855 = arith.maximumf %slice3A_853, %slice3A_854 : vector<8x8xf32>
      %roll3A_856 = arith.constant 4 : i32
      %roll3A_857 = tpu.dynamic_rotate %max3A_855 by %roll3A_856 dim 0 : vector<8x8xf32>, i32 -> vector<8x8xf32>
      %max3A_858 = arith.maximumf %max3A_855, %roll3A_857 : vector<8x8xf32>
      %roll3A_859 = arith.constant 2 : i32
      %roll3A_860 = tpu.dynamic_rotate %max3A_858 by %roll3A_859 dim 0 : vector<8x8xf32>, i32 -> vector<8x8xf32>
      %max3A_861 = arith.maximumf %max3A_858, %roll3A_860 : vector<8x8xf32>
      %roll3A_862 = arith.constant 1 : i32
      %roll3A_863 = tpu.dynamic_rotate %max3A_861 by %roll3A_862 dim 0 : vector<8x8xf32>, i32 -> vector<8x8xf32>
      %max3A_864 = arith.maximumf %max3A_861, %roll3A_863 : vector<8x8xf32>
      %slice3A_865 = vector.extract_strided_slice %max3A_864 {offsets = [0, 0], sizes = [1, 8], strides = [1, 1]} : vector<8x8xf32> to vector<1x8xf32>
      %eq3A_866 = vector.broadcast %slice3A_865 : vector<1x8xf32> to vector<128x8xf32>
      %eq3A_867 = arith.cmpf oeq, %transpose3A_842, %eq3A_866 : vector<128x8xf32>
      %jit3A_868 = arith.constant 1073741824 : i32
      %broadcast_in_dim3A_869 = vector.broadcast %jit3A_868 : i32 to vector<128x8xi32>
      %select_n3A_870 = arith.select %eq3A_867, %transpose3A_843, %broadcast_in_dim3A_869 : vector<128x8xi1>, vector<128x8xi32>
      %slice3A_871 = vector.extract_strided_slice %select_n3A_870 {offsets = [0, 0], sizes = [64, 8], strides = [1, 1]} : vector<128x8xi32> to vector<64x8xi32>
      %slice3A_872 = vector.extract_strided_slice %select_n3A_870 {offsets = [64, 0], sizes = [64, 8], strides = [1, 1]} : vector<128x8xi32> to vector<64x8xi32>
      %min3A_873 = arith.minsi %slice3A_871, %slice3A_872 : vector<64x8xi32>
      %slice3A_874 = vector.extract_strided_slice %min3A_873 {offsets = [0, 0], sizes = [32, 8], strides = [1, 1]} : vector<64x8xi32> to vector<32x8xi32>
      %slice3A_875 = vector.extract_strided_slice %min3A_873 {offsets = [32, 0], sizes = [32, 8], strides = [1, 1]} : vector<64x8xi32> to vector<32x8xi32>
      %min3A_876 = arith.minsi %slice3A_874, %slice3A_875 : vector<32x8xi32>
      %slice3A_877 = vector.extract_strided_slice %min3A_876 {offsets = [0, 0], sizes = [16, 8], strides = [1, 1]} : vector<32x8xi32> to vector<16x8xi32>
      %slice3A_878 = vector.extract_strided_slice %min3A_876 {offsets = [16, 0], sizes = [16, 8], strides = [1, 1]} : vector<32x8xi32> to vector<16x8xi32>
      %min3A_879 = arith.minsi %slice3A_877, %slice3A_878 : vector<16x8xi32>
      %slice3A_880 = vector.extract_strided_slice %min3A_879 {offsets = [0, 0], sizes = [8, 8], strides = [1, 1]} : vector<16x8xi32> to vector<8x8xi32>
      %slice3A_881 = vector.extract_strided_slice %min3A_879 {offsets = [8, 0], sizes = [8, 8], strides = [1, 1]} : vector<16x8xi32> to vector<8x8xi32>
      %min3A_882 = arith.minsi %slice3A_880, %slice3A_881 : vector<8x8xi32>
      %roll3A_883 = arith.constant 4 : i32
      %roll3A_884 = tpu.dynamic_rotate %min3A_882 by %roll3A_883 dim 0 : vector<8x8xi32>, i32 -> vector<8x8xi32>
      %min3A_885 = arith.minsi %min3A_882, %roll3A_884 : vector<8x8xi32>
      %roll3A_886 = arith.constant 2 : i32
      %roll3A_887 = tpu.dynamic_rotate %min3A_885 by %roll3A_886 dim 0 : vector<8x8xi32>, i32 -> vector<8x8xi32>
      %min3A_888 = arith.minsi %min3A_885, %roll3A_887 : vector<8x8xi32>
      %roll3A_889 = arith.constant 1 : i32
      %roll3A_890 = tpu.dynamic_rotate %min3A_888 by %roll3A_889 dim 0 : vector<8x8xi32>, i32 -> vector<8x8xi32>
      %min3A_891 = arith.minsi %min3A_888, %roll3A_890 : vector<8x8xi32>
      %slice3A_892 = vector.extract_strided_slice %min3A_891 {offsets = [0, 0], sizes = [1, 1], strides = [1, 1]} : vector<8x8xi32> to vector<1x1xi32>
      %squeeze3A_893 = vector.extract %slice3A_892[0, 0] : i32 from vector<1x1xi32>
      %swap3A_894 = arith.index_cast %add3A_765 : i32 to index
      %swap3A_895 = memref.load %arg6[%swap3A_894] : memref<2048xi32, #tpu.memory_space<smem>>
      memref.store %squeeze3A_893, %arg6[%swap3A_894] : memref<2048xi32, #tpu.memory_space<smem>>
      %mul3A_896 = arith.constant 3 : i32
      %mul3A_897 = arith.muli %squeeze3A_893, %mul3A_896 : i32
      %get3A_898 = arith.index_cast %mul3A_897 : i32 to index
      %get3A_899 = memref.load %arg2[%get3A_898] : memref<60000xf32, #tpu.memory_space<smem>>
      %add3A_900 = arith.constant 1 : i32
      %add3A_901 = arith.addi %mul3A_897, %add3A_900 : i32
      %get3A_902 = arith.index_cast %add3A_901 : i32 to index
      %get3A_903 = memref.load %arg2[%get3A_902] : memref<60000xf32, #tpu.memory_space<smem>>
      %add3A_904 = arith.constant 2 : i32
      %add3A_905 = arith.addi %mul3A_897, %add3A_904 : i32
      %get3A_906 = arith.index_cast %add3A_905 : i32 to index
      %get3A_907 = memref.load %arg2[%get3A_906] : memref<60000xf32, #tpu.memory_space<smem>>
      scf.yield %get3A_899, %get3A_903, %get3A_907, %min3A_777 : f32, f32, f32, vector<20x8x128xf32>
    }
    %scan3A_487 = arith.constant 1023 : i32
    %sub3A_488 = vector.broadcast %scan3A_486#0 : f32 to vector<20x8x128xf32>
    %sub3A_489 = arith.subf %reshape3A_452, %sub3A_488 : vector<20x8x128xf32>
    %sub3A_490 = vector.broadcast %scan3A_486#1 : f32 to vector<20x8x128xf32>
    %sub3A_491 = arith.subf %reshape3A_458, %sub3A_490 : vector<20x8x128xf32>
    %sub3A_492 = vector.broadcast %scan3A_486#2 : f32 to vector<20x8x128xf32>
    %sub3A_493 = arith.subf %reshape3A_464, %sub3A_492 : vector<20x8x128xf32>
    %mul3A_494 = arith.mulf %sub3A_489, %sub3A_489 : vector<20x8x128xf32>
    %mul3A_495 = arith.mulf %sub3A_491, %sub3A_491 : vector<20x8x128xf32>
    %add3A_496 = arith.addf %mul3A_494, %mul3A_495 : vector<20x8x128xf32>
    %mul3A_497 = arith.mulf %sub3A_493, %sub3A_493 : vector<20x8x128xf32>
    %add3A_498 = arith.addf %add3A_496, %mul3A_497 : vector<20x8x128xf32>
    %min3A = arith.minimumf %scan3A_486#3, %add3A_498 : vector<20x8x128xf32>
    %slice3A_499 = vector.extract_strided_slice %min3A {offsets = [0, 0, 0], sizes = [10, 8, 128], strides = [1, 1, 1]} : vector<20x8x128xf32> to vector<10x8x128xf32>
    %slice3A_500 = vector.extract_strided_slice %min3A {offsets = [10, 0, 0], sizes = [10, 8, 128], strides = [1, 1, 1]} : vector<20x8x128xf32> to vector<10x8x128xf32>
    %max3A_501 = arith.maximumf %slice3A_499, %slice3A_500 : vector<10x8x128xf32>
    %slice3A_502 = vector.extract_strided_slice %max3A_501 {offsets = [0, 0, 0], sizes = [5, 8, 128], strides = [1, 1, 1]} : vector<10x8x128xf32> to vector<5x8x128xf32>
    %slice3A_503 = vector.extract_strided_slice %max3A_501 {offsets = [5, 0, 0], sizes = [5, 8, 128], strides = [1, 1, 1]} : vector<10x8x128xf32> to vector<5x8x128xf32>
    %max3A_504 = arith.maximumf %slice3A_502, %slice3A_503 : vector<5x8x128xf32>
    %slice3A_505 = vector.extract_strided_slice %max3A_504 {offsets = [0, 0, 0], sizes = [2, 8, 128], strides = [1, 1, 1]} : vector<5x8x128xf32> to vector<2x8x128xf32>
    %slice3A_506 = vector.extract_strided_slice %max3A_504 {offsets = [2, 0, 0], sizes = [2, 8, 128], strides = [1, 1, 1]} : vector<5x8x128xf32> to vector<2x8x128xf32>
    %max3A_507 = arith.maximumf %slice3A_505, %slice3A_506 : vector<2x8x128xf32>
    %slice3A_508 = vector.extract_strided_slice %max3A_504 {offsets = [4, 0, 0], sizes = [1, 8, 128], strides = [1, 1, 1]} : vector<5x8x128xf32> to vector<1x8x128xf32>
    %concatenate3A = tpu.concatenate %max3A_507, %slice3A_508 in 0 : vector<2x8x128xf32>, vector<1x8x128xf32> -> vector<3x8x128xf32>
    %slice3A_509 = vector.extract_strided_slice %concatenate3A {offsets = [0, 0, 0], sizes = [1, 8, 128], strides = [1, 1, 1]} : vector<3x8x128xf32> to vector<1x8x128xf32>
    %slice3A_510 = vector.extract_strided_slice %concatenate3A {offsets = [1, 0, 0], sizes = [1, 8, 128], strides = [1, 1, 1]} : vector<3x8x128xf32> to vector<1x8x128xf32>
    %max3A_511 = arith.maximumf %slice3A_509, %slice3A_510 : vector<1x8x128xf32>
    %slice3A_512 = vector.extract_strided_slice %concatenate3A {offsets = [2, 0, 0], sizes = [1, 8, 128], strides = [1, 1, 1]} : vector<3x8x128xf32> to vector<1x8x128xf32>
    %concatenate3A_513 = tpu.concatenate %max3A_511, %slice3A_512 in 0 : vector<1x8x128xf32>, vector<1x8x128xf32> -> vector<2x8x128xf32>
    %slice3A_514 = vector.extract_strided_slice %concatenate3A_513 {offsets = [0, 0, 0], sizes = [1, 8, 128], strides = [1, 1, 1]} : vector<2x8x128xf32> to vector<1x8x128xf32>
    %slice3A_515 = vector.extract_strided_slice %concatenate3A_513 {offsets = [1, 0, 0], sizes = [1, 8, 128], strides = [1, 1, 1]} : vector<2x8x128xf32> to vector<1x8x128xf32>
    %max3A_516 = arith.maximumf %slice3A_514, %slice3A_515 : vector<1x8x128xf32>
    %reshape3A_517 = vector.shape_cast %max3A_516 : vector<1x8x128xf32> to vector<8x128xf32>
    %roll3A = arith.constant 4 : i32
    %roll3A_518 = tpu.dynamic_rotate %reshape3A_517 by %roll3A dim 0 : vector<8x128xf32>, i32 -> vector<8x128xf32>
    %max3A_519 = arith.maximumf %reshape3A_517, %roll3A_518 : vector<8x128xf32>
    %roll3A_520 = arith.constant 2 : i32
    %roll3A_521 = tpu.dynamic_rotate %max3A_519 by %roll3A_520 dim 0 : vector<8x128xf32>, i32 -> vector<8x128xf32>
    %max3A_522 = arith.maximumf %max3A_519, %roll3A_521 : vector<8x128xf32>
    %roll3A_523 = arith.constant 1 : i32
    %roll3A_524 = tpu.dynamic_rotate %max3A_522 by %roll3A_523 dim 0 : vector<8x128xf32>, i32 -> vector<8x128xf32>
    %max3A_525 = arith.maximumf %max3A_522, %roll3A_524 : vector<8x128xf32>
    %broadcast_in_dim3A_526 = vector.shape_cast %max3A_525 : vector<8x128xf32> to vector<1x8x128xf32>
    %eq3A_527 = vector.broadcast %broadcast_in_dim3A_526 : vector<1x8x128xf32> to vector<20x8x128xf32>
    %eq3A_528 = arith.cmpf oeq, %min3A, %eq3A_527 : vector<20x8x128xf32>
    %jit3A_529 = arith.constant 1073741824 : i32
    %broadcast_in_dim3A_530 = vector.broadcast %jit3A_529 : i32 to vector<20x8x128xi32>
    %select_n3A_531 = arith.select %eq3A_528, %reshape3A, %broadcast_in_dim3A_530 : vector<20x8x128xi1>, vector<20x8x128xi32>
    %slice3A_532 = vector.extract_strided_slice %select_n3A_531 {offsets = [0, 0, 0], sizes = [10, 8, 128], strides = [1, 1, 1]} : vector<20x8x128xi32> to vector<10x8x128xi32>
    %slice3A_533 = vector.extract_strided_slice %select_n3A_531 {offsets = [10, 0, 0], sizes = [10, 8, 128], strides = [1, 1, 1]} : vector<20x8x128xi32> to vector<10x8x128xi32>
    %min3A_534 = arith.minsi %slice3A_532, %slice3A_533 : vector<10x8x128xi32>
    %slice3A_535 = vector.extract_strided_slice %min3A_534 {offsets = [0, 0, 0], sizes = [5, 8, 128], strides = [1, 1, 1]} : vector<10x8x128xi32> to vector<5x8x128xi32>
    %slice3A_536 = vector.extract_strided_slice %min3A_534 {offsets = [5, 0, 0], sizes = [5, 8, 128], strides = [1, 1, 1]} : vector<10x8x128xi32> to vector<5x8x128xi32>
    %min3A_537 = arith.minsi %slice3A_535, %slice3A_536 : vector<5x8x128xi32>
    %slice3A_538 = vector.extract_strided_slice %min3A_537 {offsets = [0, 0, 0], sizes = [2, 8, 128], strides = [1, 1, 1]} : vector<5x8x128xi32> to vector<2x8x128xi32>
    %slice3A_539 = vector.extract_strided_slice %min3A_537 {offsets = [2, 0, 0], sizes = [2, 8, 128], strides = [1, 1, 1]} : vector<5x8x128xi32> to vector<2x8x128xi32>
    %min3A_540 = arith.minsi %slice3A_538, %slice3A_539 : vector<2x8x128xi32>
    %slice3A_541 = vector.extract_strided_slice %min3A_537 {offsets = [4, 0, 0], sizes = [1, 8, 128], strides = [1, 1, 1]} : vector<5x8x128xi32> to vector<1x8x128xi32>
    %concatenate3A_542 = tpu.concatenate %min3A_540, %slice3A_541 in 0 : vector<2x8x128xi32>, vector<1x8x128xi32> -> vector<3x8x128xi32>
    %slice3A_543 = vector.extract_strided_slice %concatenate3A_542 {offsets = [0, 0, 0], sizes = [1, 8, 128], strides = [1, 1, 1]} : vector<3x8x128xi32> to vector<1x8x128xi32>
    %slice3A_544 = vector.extract_strided_slice %concatenate3A_542 {offsets = [1, 0, 0], sizes = [1, 8, 128], strides = [1, 1, 1]} : vector<3x8x128xi32> to vector<1x8x128xi32>
    %min3A_545 = arith.minsi %slice3A_543, %slice3A_544 : vector<1x8x128xi32>
    %slice3A_546 = vector.extract_strided_slice %concatenate3A_542 {offsets = [2, 0, 0], sizes = [1, 8, 128], strides = [1, 1, 1]} : vector<3x8x128xi32> to vector<1x8x128xi32>
    %concatenate3A_547 = tpu.concatenate %min3A_545, %slice3A_546 in 0 : vector<1x8x128xi32>, vector<1x8x128xi32> -> vector<2x8x128xi32>
    %slice3A_548 = vector.extract_strided_slice %concatenate3A_547 {offsets = [0, 0, 0], sizes = [1, 8, 128], strides = [1, 1, 1]} : vector<2x8x128xi32> to vector<1x8x128xi32>
    %slice3A_549 = vector.extract_strided_slice %concatenate3A_547 {offsets = [1, 0, 0], sizes = [1, 8, 128], strides = [1, 1, 1]} : vector<2x8x128xi32> to vector<1x8x128xi32>
    %min3A_550 = arith.minsi %slice3A_548, %slice3A_549 : vector<1x8x128xi32>
    %reshape3A_551 = vector.shape_cast %min3A_550 : vector<1x8x128xi32> to vector<8x128xi32>
    %roll3A_552 = arith.constant 4 : i32
    %roll3A_553 = tpu.dynamic_rotate %reshape3A_551 by %roll3A_552 dim 0 : vector<8x128xi32>, i32 -> vector<8x128xi32>
    %min3A_554 = arith.minsi %reshape3A_551, %roll3A_553 : vector<8x128xi32>
    %roll3A_555 = arith.constant 2 : i32
    %roll3A_556 = tpu.dynamic_rotate %min3A_554 by %roll3A_555 dim 0 : vector<8x128xi32>, i32 -> vector<8x128xi32>
    %min3A_557 = arith.minsi %min3A_554, %roll3A_556 : vector<8x128xi32>
    %roll3A_558 = arith.constant 1 : i32
    %roll3A_559 = tpu.dynamic_rotate %min3A_557 by %roll3A_558 dim 0 : vector<8x128xi32>, i32 -> vector<8x128xi32>
    %min3A_560 = arith.minsi %min3A_557, %roll3A_559 : vector<8x128xi32>
    %transpose3A = tpu.transpose %max3A_525, [1, 0] : vector<8x128xf32> -> vector<128x8xf32>
    %transpose3A_561 = tpu.transpose %min3A_560, [1, 0] : vector<8x128xi32> -> vector<128x8xi32>
    %slice3A_562 = vector.extract_strided_slice %transpose3A {offsets = [0, 0], sizes = [64, 8], strides = [1, 1]} : vector<128x8xf32> to vector<64x8xf32>
    %slice3A_563 = vector.extract_strided_slice %transpose3A {offsets = [64, 0], sizes = [64, 8], strides = [1, 1]} : vector<128x8xf32> to vector<64x8xf32>
    %max3A_564 = arith.maximumf %slice3A_562, %slice3A_563 : vector<64x8xf32>
    %slice3A_565 = vector.extract_strided_slice %max3A_564 {offsets = [0, 0], sizes = [32, 8], strides = [1, 1]} : vector<64x8xf32> to vector<32x8xf32>
    %slice3A_566 = vector.extract_strided_slice %max3A_564 {offsets = [32, 0], sizes = [32, 8], strides = [1, 1]} : vector<64x8xf32> to vector<32x8xf32>
    %max3A_567 = arith.maximumf %slice3A_565, %slice3A_566 : vector<32x8xf32>
    %slice3A_568 = vector.extract_strided_slice %max3A_567 {offsets = [0, 0], sizes = [16, 8], strides = [1, 1]} : vector<32x8xf32> to vector<16x8xf32>
    %slice3A_569 = vector.extract_strided_slice %max3A_567 {offsets = [16, 0], sizes = [16, 8], strides = [1, 1]} : vector<32x8xf32> to vector<16x8xf32>
    %max3A_570 = arith.maximumf %slice3A_568, %slice3A_569 : vector<16x8xf32>
    %slice3A_571 = vector.extract_strided_slice %max3A_570 {offsets = [0, 0], sizes = [8, 8], strides = [1, 1]} : vector<16x8xf32> to vector<8x8xf32>
    %slice3A_572 = vector.extract_strided_slice %max3A_570 {offsets = [8, 0], sizes = [8, 8], strides = [1, 1]} : vector<16x8xf32> to vector<8x8xf32>
    %max3A_573 = arith.maximumf %slice3A_571, %slice3A_572 : vector<8x8xf32>
    %roll3A_574 = arith.constant 4 : i32
    %roll3A_575 = tpu.dynamic_rotate %max3A_573 by %roll3A_574 dim 0 : vector<8x8xf32>, i32 -> vector<8x8xf32>
    %max3A_576 = arith.maximumf %max3A_573, %roll3A_575 : vector<8x8xf32>
    %roll3A_577 = arith.constant 2 : i32
    %roll3A_578 = tpu.dynamic_rotate %max3A_576 by %roll3A_577 dim 0 : vector<8x8xf32>, i32 -> vector<8x8xf32>
    %max3A_579 = arith.maximumf %max3A_576, %roll3A_578 : vector<8x8xf32>
    %roll3A_580 = arith.constant 1 : i32
    %roll3A_581 = tpu.dynamic_rotate %max3A_579 by %roll3A_580 dim 0 : vector<8x8xf32>, i32 -> vector<8x8xf32>
    %max3A_582 = arith.maximumf %max3A_579, %roll3A_581 : vector<8x8xf32>
    %slice3A_583 = vector.extract_strided_slice %max3A_582 {offsets = [0, 0], sizes = [1, 8], strides = [1, 1]} : vector<8x8xf32> to vector<1x8xf32>
    %eq3A_584 = vector.broadcast %slice3A_583 : vector<1x8xf32> to vector<128x8xf32>
    %eq3A_585 = arith.cmpf oeq, %transpose3A, %eq3A_584 : vector<128x8xf32>
    %jit3A_586 = arith.constant 1073741824 : i32
    %broadcast_in_dim3A_587 = vector.broadcast %jit3A_586 : i32 to vector<128x8xi32>
    %select_n3A_588 = arith.select %eq3A_585, %transpose3A_561, %broadcast_in_dim3A_587 : vector<128x8xi1>, vector<128x8xi32>
    %slice3A_589 = vector.extract_strided_slice %select_n3A_588 {offsets = [0, 0], sizes = [64, 8], strides = [1, 1]} : vector<128x8xi32> to vector<64x8xi32>
    %slice3A_590 = vector.extract_strided_slice %select_n3A_588 {offsets = [64, 0], sizes = [64, 8], strides = [1, 1]} : vector<128x8xi32> to vector<64x8xi32>
    %min3A_591 = arith.minsi %slice3A_589, %slice3A_590 : vector<64x8xi32>
    %slice3A_592 = vector.extract_strided_slice %min3A_591 {offsets = [0, 0], sizes = [32, 8], strides = [1, 1]} : vector<64x8xi32> to vector<32x8xi32>
    %slice3A_593 = vector.extract_strided_slice %min3A_591 {offsets = [32, 0], sizes = [32, 8], strides = [1, 1]} : vector<64x8xi32> to vector<32x8xi32>
    %min3A_594 = arith.minsi %slice3A_592, %slice3A_593 : vector<32x8xi32>
    %slice3A_595 = vector.extract_strided_slice %min3A_594 {offsets = [0, 0], sizes = [16, 8], strides = [1, 1]} : vector<32x8xi32> to vector<16x8xi32>
    %slice3A_596 = vector.extract_strided_slice %min3A_594 {offsets = [16, 0], sizes = [16, 8], strides = [1, 1]} : vector<32x8xi32> to vector<16x8xi32>
    %min3A_597 = arith.minsi %slice3A_595, %slice3A_596 : vector<16x8xi32>
    %slice3A_598 = vector.extract_strided_slice %min3A_597 {offsets = [0, 0], sizes = [8, 8], strides = [1, 1]} : vector<16x8xi32> to vector<8x8xi32>
    %slice3A_599 = vector.extract_strided_slice %min3A_597 {offsets = [8, 0], sizes = [8, 8], strides = [1, 1]} : vector<16x8xi32> to vector<8x8xi32>
    %min3A_600 = arith.minsi %slice3A_598, %slice3A_599 : vector<8x8xi32>
    %roll3A_601 = arith.constant 4 : i32
    %roll3A_602 = tpu.dynamic_rotate %min3A_600 by %roll3A_601 dim 0 : vector<8x8xi32>, i32 -> vector<8x8xi32>
    %min3A_603 = arith.minsi %min3A_600, %roll3A_602 : vector<8x8xi32>
    %roll3A_604 = arith.constant 2 : i32
    %roll3A_605 = tpu.dynamic_rotate %min3A_603 by %roll3A_604 dim 0 : vector<8x8xi32>, i32 -> vector<8x8xi32>
    %min3A_606 = arith.minsi %min3A_603, %roll3A_605 : vector<8x8xi32>
    %roll3A_607 = arith.constant 1 : i32
    %roll3A_608 = tpu.dynamic_rotate %min3A_606 by %roll3A_607 dim 0 : vector<8x8xi32>, i32 -> vector<8x8xi32>
    %min3A_609 = arith.minsi %min3A_606, %roll3A_608 : vector<8x8xi32>
    %slice3A_610 = vector.extract_strided_slice %min3A_609 {offsets = [0, 0], sizes = [1, 1], strides = [1, 1]} : vector<8x8xi32> to vector<1x1xi32>
    %squeeze3A = vector.extract %slice3A_610[0, 0] : i32 from vector<1x1xi32>
    %swap3A_611 = arith.constant 2047 : index
    %swap3A_612 = memref.load %arg6[%swap3A_611] : memref<2048xi32, #tpu.memory_space<smem>>
    memref.store %squeeze3A, %arg6[%swap3A_611] : memref<2048xi32, #tpu.memory_space<smem>>
    return
  }
}

</mosaic_0001>

<sc_bundles>
// kernel: kernel.4.cloned.1.call-start
scs
__scs_entry_jumppad:
0x0: {  	(pc) =	sbr.rel $0x88, $3  }
0x1: {  	(tag) =	ssettag $0x0;
	lr =	simm.s32 $0x1  }
0x2: {  	[smem:$0x3F9D] =	sst lr;
	_ =	strace $0xD0000000  }
0x3: {  	_ = 	snop  }
0x4: {  	_ = 	snop  }
0x5: {  	_ = 	snop  }
0x6: {  	_ = 	snop  }
0x7: {  	_ = 	snop  }
__scs_overlays_trampoline_lowered:
0x8: {  	[smem:$0x3FAC] =	sst s0  }
0x9: {  	[smem:$0x3FAD] =	sst s1  }
0xa: {  	[smem:$0x3FAE] =	sst s2  }
0xb: {  	[smem:$0x3FAF] =	sst s3  }
0xc: {  	[smem:$0x3FB0] =	sst s4  }
0xd: {  	[smem:$0x3FB1] =	sst s5  }
0xe: {  	[smem:$0x3FB2] =	sst s6  }
0xf: {  	[smem:$0x3FB3] =	sst s7  }
0x10: {  	[smem:$0x3FB4] =	sst s8  }
0x11: {  	[smem:$0x3FB5] =	sst s9;
	s0 =	simm.s32 @!p0 $0x0  }
0x12: {  	s1 =	sld [smem:$0x3F9B];
	s0 =	simm.s32 @p0 $0x1  }
0x13: {  	[smem:$0x3FB6] =	sst s0;
	s0 =	simm.s32 @!p1 $0x0  }
0x14: {  	s2 =	sld [smem:$0x3F9A];
	s0 =	simm.s32 @p1 $0x1  }
0x15: {  	[smem:$0x3FB7] =	sst s0;
	s0 =	simm.s32 @!p2 $0x0  }
0x16: {  	s3 =	sld [smem:$0x3FDB];
	s0 =	simm.s32 @p2 $0x1  }
0x17: {  	s4 =	simm.s32 $0x1BF5;
	[smem:$0x3FB9] =	sst s0  }
0x18: {  	s0 =	sld [smem:$0x3F9C];
	_ =	swait.ge [sflag:s4], $0x0  }
0x19: {  	s7 =	sld [smem:$0x3F9D]  }
0x1a: {  	s8 =	sadd.s32 $0xFFFFE003, lr  }
0x1b: {  	s9 =	sadd.s32 $0xFFFFFEF7, lr;
	s5 =	simm.s32 $0xFFFFFFFF;
	p2 =	slt.u32 s8, $0xFFFFF086  }
0x1c: {  	p1 =	slt.u32 s9, $0xF7A;
	s5 =	simm.s32 @!p2 $0x0  }
0x1d: {  	s5 =	simm.s32 @p1 $0x1;
	p0 =	seq.s32 s7, s2  }
0x1e: {  	s7 =	smul.u32 @!p0 $0xF7A, s2;
	p2 =	seq.s32 @!p0 s5, $0x0  }
0x1f: {  	s9 =	smul.u32 $0xF7A, s1;
	s8 =	simm.s32 @!p0 $0x1BF5;
	p2 =	por !p2, p0  }
0x20: {  	[sflag:s8] =	ssyncset.s32 @!p0 $0xFFFFF086;
	s6 =	sadd.s32 @!p0 s3, s7;
	s7 =	simm.s32 @!p0 $0x108  }
0x21: {  	s3 =	sadd.s32 s3, s9;
	s6 =	sadd.s32 @!p0 $0x88, s6;
	s7 =	simm.s32 @p2 $0x1082  }
0x22: {  	[simem:s7], [sflag:s8] =	dma.local @!p0 [hbm:s6], $0xF7A  }
0x23: {  	s9 =	sor.u32 $0xD0000000, s2;
	s6 =	simm.s32 $0x108;
	_ =	swait.ge @!p0 [sflag:s8], $0x0  }
0x24: {  	s3 =	sadd.s32 $0x88, s3;
	s6 =	simm.s32 @!p1 $0x1082;
	[sflag:s4] =	ssyncset.s32 $0xFFFFF086  }
0x25: {  	[simem:s6], [sflag:s4] =	dma.local [hbm:s3], $0xF7A  }
0x26: {  	[smem:$0x3F9D] =	sst s1;
	(tag) =	ssettag s2;
	_ =	strace s9  }
0x27: {  	s1 =	sld [smem:$0x3FAD]  }
0x28: {  	s2 =	sld [smem:$0x3FAE]  }
0x29: {  	s4 =	sld [smem:$0x3FB0]  }
0x2a: {  	p0 =	seq.s32 s5, $0x0;
	s5 =	sld [smem:$0x3FB1]  }
0x2b: {  	s6 =	sld [smem:$0x3FB2]  }
0x2c: {  	s7 =	sld [smem:$0x3FB3]  }
0x2d: {  	s3 =	simm.s32 $0x108;
	s8 =	sld [smem:$0x3FB4]  }
0x2e: {  	s3 =	simm.s32 @!p0 $0x1082;
	s9 =	sld [smem:$0x3FB5]  }
0x2f: {  	lr =	sadd.s32 s0, s3;
	s0 =	sld [smem:$0x3FAC]  }
0x30: {  	s3 =	sld [smem:$0x3FAF]  }
0x31: {  	[smem:$0x3FB8] =	sst s10  }
0x32: {  	s10 =	sld [smem:$0x3FB6];
	_ =	sdelay $0x3  }
0x33: {  	p0 =	seq.s32 s10, $0x1;
	s10 =	sld [smem:$0x3FB8];
	_ =	sdelay $0x3  }
0x34: {  	[smem:$0x3FB8] =	sst s10  }
0x35: {  	s10 =	sld [smem:$0x3FB7];
	_ =	sdelay $0x3  }
0x36: {  	p1 =	seq.s32 s10, $0x1;
	s10 =	sld [smem:$0x3FB8];
	_ =	sdelay $0x3  }
0x37: {  	[smem:$0x3FB8] =	sst s10  }
0x38: {  	s10 =	sld [smem:$0x3FB9]  }
0x39: {  	_ = 	snop;
	(pc) =	sbr.ind lr, $3  }
0x3a: {  	_ = 	snop  }
0x3b: {  	_ = 	snop  }
0x3c: {  	p2 =	seq.s32 s10, $0x1;
	s10 =	sld [smem:$0x3FB8]  }
0x3d: {  	_ =	shalt  }
0x3e: {  	_ =	shalt  }
0x3f: {  	_ =	shalt  }
0x40: {  	_ =	shalt  }
0x41: {  	_ =	shalt  }
0x42: {  	_ =	shalt  }
0x43: {  	_ =	shalt  }
0x44: {  	_ =	shalt  }
0x45: {  	_ =	shalt  }
0x46: {  	_ =	shalt  }
0x47: {  	_ =	shalt  }
0x48: {  	_ =	shalt  }
0x49: {  	_ =	shalt  }
0x4a: {  	_ =	shalt  }
0x4b: {  	_ =	shalt  }
0x4c: {  	_ =	shalt  }
0x4d: {  	_ =	shalt  }
0x4e: {  	_ =	shalt  }
0x4f: {  	_ =	shalt  }
0x50: {  	_ =	shalt  }
0x51: {  	_ =	shalt  }
0x52: {  	_ =	shalt  }
0x53: {  	_ =	shalt  }
0x54: {  	_ =	shalt  }
0x55: {  	_ =	shalt  }
0x56: {  	_ =	shalt  }
0x57: {  	_ =	shalt  }
0x58: {  	_ =	shalt  }
0x59: {  	_ =	shalt  }
0x5a: {  	_ =	shalt  }
0x5b: {  	_ =	shalt  }
0x5c: {  	_ =	shalt  }
0x5d: {  	_ =	shalt  }
0x5e: {  	_ =	shalt  }
0x5f: {  	_ =	shalt  }
0x60: {  	_ =	shalt  }
0x61: {  	_ =	shalt  }
0x62: {  	_ =	shalt  }
0x63: {  	_ =	shalt  }
0x64: {  	_ =	shalt  }
0x65: {  	_ =	shalt  }
0x66: {  	_ =	shalt  }
0x67: {  	_ =	shalt  }
0x68: {  	_ =	shalt  }
0x69: {  	_ =	shalt  }
0x6a: {  	_ =	shalt  }
0x6b: {  	_ =	shalt  }
0x6c: {  	_ =	shalt  }
0x6d: {  	_ =	shalt  }
0x6e: {  	_ =	shalt  }
0x6f: {  	_ =	shalt  }
0x70: {  	_ =	shalt  }
0x71: {  	_ =	shalt  }
0x72: {  	_ =	shalt  }
0x73: {  	_ =	shalt  }
0x74: {  	_ =	shalt  }
0x75: {  	_ =	shalt  }
0x76: {  	_ =	shalt  }
0x77: {  	_ =	shalt  }
0x78: {  	_ =	shalt  }
0x79: {  	_ =	shalt  }
0x7a: {  	_ =	shalt  }
0x7b: {  	_ =	shalt  }
0x7c: {  	_ =	shalt  }
0x7d: {  	_ =	shalt  }
0x7e: {  	_ =	shalt  }
0x7f: {  	_ =	shalt  }
0x80: {  	_ =	shalt  }
0x81: {  	_ =	shalt  }
0x82: {  	_ =	shalt  }
0x83: {  	_ =	shalt  }
0x84: {  	_ =	shalt  }
0x85: {  	_ =	shalt  }
0x86: {  	_ =	shalt  }
0x87: {  	_ =	shalt  }
.Lfunc_end0:
.L_simem_size_0:
called_computation_lowered:
.L_overlay_start_0:
0x88: {  	s2 =	sld [smem:$0x3FD9]  }
0x89: {  	s3 =	sld [smem:$0x3FFE];
	_ =	sdelay $0x1  }
0x8a: {  	s1 =	srdreg.scid  }
0x8b: {  	s0 =	sand.u32 $0x1, s1  }
0x8c: {  	s14 =	sshll.u32 s0, $0xA;
	s2 =	sadd.s32 s3, s2  }
0x8d: {  	s2 =	sadd.s32 s2, s14  }
0x8e: {  	[smem:$0x3FC4] =	sst s2  }
0x8f: {  	_ = 	snop  }
0x90: {  	s2 =	sld [smem:$0x3FD0];
	_ =	sdelay $0x2  }
0x91: {  	s4 =	simm.s32 $0xA;
	s5 =	simm.s32 $0x10;
	s15 =	sld [smem:$0x3FC6]  }
0x92: {  	[smem:s5], [sflag:s4] =	dma.local [hbm:s2], $0x1  }
0x93: {  	_ =	swait.eq [sflag:s4], $0x1  }
0x94: {  	[sflag:s4] =	ssyncset.done $0x0  }
0x95: {  	[sflag:s4] =	ssyncadd.s32 $0xFFFFFFFF  }
0x96: {  	s16 =	sld [smem:$0x13];
	(tm) =	ssettm $0x1  }
0x97: {  	s17 =	sld [smem:$0x3FFB];
	_ =	sdelay $0x3  }
0x98: {  	_ =	strace s17  }
0x99: {  	s4 =	sld [smem:$0x3FFC];
	_ =	sdelay $0x3  }
0x9a: {  	_ =	strace s4  }
0x9b: {  	s4 =	sld [smem:$0x3FFD];
	_ =	sdelay $0x3  }
0x9c: {  	_ =	strace s4  }
0x9d: {  	_ =	strace $0x8FFFFFFF  }
0x9e: {  	s18 =	sld [smem:$0x3FDB];
	_ =	sdelay $0x1  }
0x9f: {  	s19 =	simm.s32 $_scs_section_size  }
0xa0: {  	s6 =	simm.s32 $_size__tile_overlayer_lowered;
	s7 =	simm.s32 $_tile_overlayer_lowered  }
0xa1: {  	s22 =	simm.s32 $0x1BFF;
	s21 =	sshll.u32 s7, $0x1;
	s4 =	sadd.s32 s19, s18  }
0xa2: {  	s8 =	simm.s32 $0x0;
	s20 =	sshll.u32 s6, $0x1;
	s6 =	sadd.s32 s21, s4  }
0xa3: {  	[timem:s8], [sflag:s22] =	dma.local [hbm:s6], s20  }
0xa4: {  	_ =	swait.ge [sflag:s22], s20  }
0xa5: {  	s5 =	ssub.s32 $0x0, s20;
	[sflag:s22] =	ssyncset.done $0x0  }
0xa6: {  	[sflag:s22] =	ssyncadd.s32 s5;
	_ =	sdelay $0x1  }
0xa7: {  	s23 =	simm.s32 $0x1B8B  }
0xa8: {  	_ =	swait.ge [sflag:s23], $0x1  }
0xa9: {  	[sflag:s23] =	ssyncset.done $0x0  }
0xaa: {  	s25 =	simm.s32 $0x1B8E;
	s24 =	sld [smem:$0x3FFE];
	[sflag:s23] =	ssyncadd.s32 $0xFFFFFFFF  }
0xab: {  	s26 =	simm.s32 $execute0_lowered;
	[smem:$0x3FD2] =	sst s25  }
0xac: {  	s6 =	sshll.u32 s26, $0x1;
	_ =	strace $0x80000046;
	[dreg:$0x1] =	wrdreg $0xFFFFFFFF  }
0xad: {  	s28 =	simm.s32 $_size_execute0_lowered;
	s4 =	sadd.s32 s4, s6;
	[dreg:$0x0] =	wrdreg $0x0  }
0xae: {  	s6 =	sshll.u32 s28, $0x1;
	[dreg:$0x2] =	wrdreg s4  }
0xaf: {  	[dreg:$0x3] =	wrdreg s6  }
0xb0: {  	[dreg:$0x4] =	wrdreg $0xC0  }
0xb1: {  	_ =	task [dreg:s8], $0x5FFFF  }
0xb2: {  	[dreg:$0x1] =	wrdreg $0xFFFFFFFF  }
0xb3: {  	[dreg:$0x0] =	wrdreg $0x60  }
0xb4: {  	[dreg:$0x2] =	wrdreg s15  }
0xb5: {  	[dreg:$0x3] =	wrdreg s24  }
0xb6: {  	[dreg:$0x4] =	wrdreg s16  }
0xb7: {  	[dreg:$0x5] =	wrdreg $0x9  }
0xb8: {  	_ =	task.clear_ibuf [dreg:s8], $0x6FFFF;
	_ =	strace $0x90000046  }
0xb9: {  	s29 =	simm.s32 $0x9;
	_ =	strace $0x80000048  }
0xba: {  	_ =	swait.ge [sflag:s29], $0x1  }
0xbb: {  	[sflag:s29] =	ssyncadd.s32 $0xFFFFFFFF  }
0xbc: {  	_ =	strace $0x90000048  }
0xbd: {  	_ =	sfence  }
0xbe: {  	s30 =	sld [smem:$0x0];
	_ =	sdelay $0x2  }
0xbf: {  	s31 =	sshll.u32 s1, $0xD;
	s1 =	sshrl.u32 s1, $0x2  }
0xc0: {  	s3 =	sand.u32 $0x4000, s31;
	s1 =	sadd.s32 s1, s30  }
0xc1: {  	s0 =	sor.u32 s3, s0;
	s1 =	sshll.u32 s1, $0x11  }
0xc2: {  	s0 =	sor.u32 s1, s0  }
0xc3: {  	s0 =	sadd.s32 $0x8F2B, s0  }
0xc4: {  	[sflag:s0] =	ssyncadd.remote.s32 $0x1  }
0xc5: {  	_ =	sfence.sel $0xFFFF  }
0xc6: {  	[dreg:$0x0] =	wrdreg $0xFFFFFFFF;
	(pc) =	sbr.abs _section_cstart, $3  }
0xc7: {  	[dreg:$0x1] =	wrdreg $0xFFFFFFFF  }
0xc8: {  	_ =	task.clear_ibuf [dreg:s8], $0x2FFFF;
	_ =	strace $0x9FFFFFFF  }
0xc9: {  	(tm) =	ssettm $0x7FFFFFFF  }
tec
execute0_lowered:
.L_overlay_start_1:
0x0: {  	(tag) =	ssettag $0x1  }
0x1: {  	s2 =	srdreg.scid  }
0x2: {  	s1 =	rddreg [dreg:$0x0];
	s0 =	stileid.u32;
	s6 =	sand.u32 $0x1, s2  }
0x3: {  	s4 =	rddreg [dreg:$0x1];
	s30 =	sshll.u32 s0, $0x7;
	s3 =	sshll.u32 s6, $0x6  }
0x4: {  	s9 =	rddreg [dreg:$0x2];
	s10 =	sor.u32 s3, s30  }
0x5: {  	s2 =	rddreg [dreg:$0x3];
	s3 =	simm.s32 $0x0;
	s5 =	sshrl.u32 s10, $0x3  }
0x6: {  	s11 =	ssub.s32 $0x2, s6;
	[smem:$0x7FF] =	sst s3;
	s4 =	sadd.s32 s5, s4  }
0x7: {  	_ =	strace $0x80000047;
	s5 =	sadd.s32 $0x1A00, s4;
	s4 =	simm.s32 $0x2  }
0x8: {  	[tilespmem:s3], [sflag:$0x2] =	stream.linear.gather [hbm4b:s5+s3], $0x40, $0x38;
	[tilespmem:$0x2080] =	vst v63  }
0x9: {  	s7 =	simm.s32 $0x80;
	s12 =	sshrl.u32 s11, $0x1;
	_ =	swait.ge [sflag:s4], $0x40  }
0xa: {  	s8 =	simm.s32 $0x1;
	s11 =	ssub.s32 s11, s12;
	[sflag:s4] =	ssyncset.done $0x0  }
0xb: {  	s6 =	simm.s32 $0x40;
	s31 =	smax.u32 s11, $0x1;
	[sflag:s4] =	ssyncadd.s32 $0xFFFFFFC0  }
0xc: {  	[tilespmem:s7], [sflag:$0x1] =	stream.indirect.gather [hbm4b:s1+s6], $0x80, s3, s6, $0xb8;
	[tilespmem:$0x2080] =	vst v63  }
0xd: {  	p0 =	sne.s32 s31, $0x1;
	_ =	swait.ge [sflag:s8], $0x2000  }
.Ltmp0:
0xe: {  	s10 =	sshll.u32 s10, $0x4;
	[sflag:s8] =	ssyncset.done $0x0;
	(pc) =	sbr.rel @!p0 .LBB2_2-.Ltmp0, $4  }
0xf: {  	s9 =	sadd.s32 s9, s10;
	[sflag:s8] =	ssyncadd.s32 $0xFFFFE000  }
0x10: {  	[hbm4b:s9+s3] =	stream.linear.scatter [tilespmem:s7], [sflag:$0x2], $0x2000, $0x38;
	[tilespmem:$0x2080] =	vst v63  }
0x11: {  	_ =	swait.ge [sflag:s4], $0x2000  }
0x12: {  	s10 =	sadd.s32 $0xFFFFFFFF, s31;
	[sflag:s4] =	ssyncset.done $0x0  }
.LBB2_1:
0x13: {  	p0 =	sne.s32 s10, $0x1;
	s10 =	sadd.s32 $0xFFFFFFFF, s10;
	[sflag:s4] =	ssyncadd.s32 $0xFFFFE000  }
0x14: {  	[tilespmem:s3], [sflag:$0x2] =	stream.linear.gather [hbm4b:s5+s3], $0x40, $0x38;
	[tilespmem:$0x2080] =	vst v63  }
0x15: {  	_ =	swait.ge [sflag:s4], $0x40  }
0x16: {  	[sflag:s4] =	ssyncset.done $0x0  }
0x17: {  	[sflag:s4] =	ssyncadd.s32 $0xFFFFFFC0  }
0x18: {  	[tilespmem:s7], [sflag:$0x1] =	stream.indirect.gather [hbm4b:s1+s6], $0x80, s3, s6, $0xb8;
	[tilespmem:$0x2080] =	vst v63  }
0x19: {  	_ =	swait.ge [sflag:s8], $0x2000  }
.Ltmp1:
0x1a: {  	[sflag:s8] =	ssyncset.done $0x0;
	(pc) =	sbr.rel @p0 .LBB2_1-.Ltmp1, $4  }
0x1b: {  	[sflag:s8] =	ssyncadd.s32 $0xFFFFE000  }
0x1c: {  	[hbm4b:s9+s3] =	stream.linear.scatter [tilespmem:s7], [sflag:$0x2], $0x2000, $0x38;
	[tilespmem:$0x2080] =	vst v63  }
0x1d: {  	_ =	swait.ge [sflag:s4], $0x2000  }
0x1e: {  	[sflag:s4] =	ssyncset.done $0x0  }
.LBB2_2:
0x1f: {  	[sflag:s4] =	ssyncadd.s32 $0xFFFFE000  }
0x20: {  	_ =	sfence.sel $0x180000  }
0x21: {  	[bflag:$0x0] =	sbarrier.arrive $0xFFFF  }
0x22: {  	p0 =	sne.s32 s0, $0x0;
	_ =	strace $0x90000047  }
0x23: {  	s0 =	sadd.s32 @!p0 $0x100000, s2;
	[bflag:$0x2] =	sbarrier.arrive $0xFFFF  }
0x24: {  	[sflag:s0] =	ssyncadd.tile.s32 @!p0 $0x1;
	_ =	shalt  }
.Lfunc_end2:
_tile_overlayer_lowered:
.L_overlay_start_2:
0x25: {  	(tag) =	ssettag $0x2  }
0x26: {  	s0 =	rddreg [dreg:$0x0];
	s2 =	stileid.u32  }
0x27: {  	s1 =	rddreg [dreg:$0x1];
	p0 =	sne.s32 s2, $0x0  }
0x28: {  	s3 =	rddreg [dreg:$0x2];
	[bflag:$0x3] =	sbarrier.arrive $0xFFFF;
	s2 =	simm.s32 @!p0 $0x1C02  }
0x29: {  	[timem:s3], [sflag:s2] =	dma.local @!p0 [hbm:s0], s1  }
0x2a: {  	s0 =	simm.s32 @!p0 $0x2  }
0x2b: {  	_ =	swait.ge @!p0 [sflag:s0], s1  }
0x2c: {  	s1 =	ssub.s32 @!p0 $0x0, s1;
	[sflag:s0] =	ssyncset.done @!p0 $0x0  }
0x2d: {  	[sflag:s0] =	ssyncadd.s32 @!p0 s1  }
0x2e: {  	[bflag:$0x3] =	sbarrier.arrive $0xFFFF  }
0x2f: {  	_ =	shalt  }

</sc_bundles>
